<compile_context>
chip_gen: v7x
topology: tpu7x:2x2x1
jax: 0.10.2.dev20260603
libtpu: 0.0.44.dev20260713+nightly
codegen_flags: <defaults>
</compile_context>

<pallas_src>
import jax
import jax.numpy as jnp
from jax import lax
from jax.experimental import pallas as pl
from jax.experimental.pallas import tpu as pltpu
from jax.experimental.pallas import tpu_sc as plsc

N = 100000
F = 128
B = 1024

NC = 2
NS = 16
NW = NC * NS
L = 16

RB = 128
MAIN = N // RB
TAIL = N - MAIN * RB
TAIL_BASE = N - RB
DUMP = B

KB = 1024
NB_TC = 29
R_TC = NB_TC * KB
WIN = 128

SC_START = R_TC // RB
CPW = 16
LO_BASE = SC_START + NW * CPW
LO = MAIN - LO_BASE
LO2 = LO - NW
CPT = CPW + 2
G = 2
SLAB = G * RB
SLOTS = CPW // G

ROWS_PER_TILE = B // NS
ZROWS = 16


def _body(feat_hbm, mem_hbm, out_hbm,
          idxs, idx1, rows0, rows1, rows2, zbuf, acc_sh,
          sem_ld0, sem_ld1, sem_lo, sem_idx, sem_add0, sem_add1):
    cid = lax.axis_index("c")
    sid = lax.axis_index("s")
    wid = cid * NS + sid
    start = SC_START + wid * CPW

    rows = (rows0, rows1)
    sem_ld = (sem_ld0, sem_ld1)
    sem_add = (sem_add0, sem_add1)

    def load_slab(b, s):
        row0 = (start + G * s) * RB
        pltpu.async_copy(feat_hbm.at[pl.ds(row0, SLAB), :], rows[b], sem_ld[b])

    def wait_load(b):
        pltpu.make_async_copy(
            feat_hbm.at[pl.ds(0, SLAB), :], rows[b], sem_ld[b]
        ).wait()

    load_slab(0, 0)
    pltpu.async_copy(
        feat_hbm.at[pl.ds((LO_BASE + wid) * RB, RB), :], rows2, sem_lo
    )
    pltpu.async_copy(
        mem_hbm.at[pl.ds((LO_BASE + wid) * RB, RB)], idxs.at[CPW], sem_idx
    )

    @pl.when(wid < LO2)
    def _():
        pltpu.async_copy(
            mem_hbm.at[pl.ds((LO_BASE + NW + wid) * RB, RB)],
            idxs.at[CPW + 1],
            sem_idx,
        )

    def stage_idx(j, _):
        pltpu.async_copy(
            mem_hbm.at[pl.ds((start + j) * RB, RB)], idxs.at[j], sem_idx
        )
        return 0

    lax.fori_loop(0, CPW, stage_idx, 0)

    def zero_row(r, _):
        for k in range(F // L):
            zbuf[r, pl.ds(k * L, L)] = jnp.zeros((L,), jnp.float32)
        return 0

    lax.fori_loop(0, ZROWS, zero_row, 0)

    def drain_idx(j, _):
        pltpu.make_async_copy(
            mem_hbm.at[pl.ds(0, RB)], idxs.at[j], sem_idx
        ).wait()
        return 0

    lax.fori_loop(0, CPW, drain_idx, 0)

    pltpu.make_async_copy(
        mem_hbm.at[pl.ds(0, RB)], idxs.at[CPW], sem_idx
    ).wait()

    @pl.when(wid < LO2)
    def _():
        pltpu.make_async_copy(
            mem_hbm.at[pl.ds(0, RB)], idxs.at[CPW + 1], sem_idx
        ).wait()

    for q in range(ROWS_PER_TILE // ZROWS):
        pltpu.sync_copy(
            zbuf, acc_sh.at[pl.ds(sid * ROWS_PER_TILE + q * ZROWS, ZROWS)]
        )
    plsc.subcore_barrier()

    def issue_adds(b, s):
        for g in range(G):
            pltpu.async_copy(
                rows[b].at[pl.ds(g * RB, RB)],
                acc_sh.at[idxs.at[G * s + g]],
                sem_add[b],
                add=True,
            )

    def wait_adds(b):
        for g in range(G):
            pltpu.make_async_copy(
                rows[b].at[pl.ds(g * RB, RB)],
                acc_sh.at[idxs.at[0]],
                sem_add[b],
            ).wait()

    wait_load(0)
    issue_adds(0, 0)
    load_slab(1, 1)

    def slot_pair(j2, _):
        s1 = 1 + 2 * j2
        wait_load(1)
        issue_adds(1, s1)
        wait_adds(0)
        load_slab(0, s1 + 1)
        wait_load(0)
        issue_adds(0, s1 + 1)
        wait_adds(1)
        load_slab(1, s1 + 2)
        return 0

    lax.fori_loop(0, (SLOTS - 2) // 2, slot_pair, 0)
    wait_load(1)
    issue_adds(1, SLOTS - 1)
    wait_adds(0)
    wait_adds(1)

    pltpu.make_async_copy(feat_hbm.at[pl.ds(0, RB), :], rows2, sem_lo).wait()
    pltpu.sync_copy(rows2, acc_sh.at[idxs.at[CPW]], add=True)

    @pl.when(wid < LO2)
    def _():
        pltpu.sync_copy(
            feat_hbm.at[pl.ds((LO_BASE + NW + wid) * RB, RB), :], rows2
        )
        pltpu.sync_copy(rows2, acc_sh.at[idxs.at[CPW + 1]], add=True)

    @pl.when(wid == NW - 1)
    def _():
        pltpu.sync_copy(mem_hbm.at[pl.ds(TAIL_BASE, RB)], idx1)
        for t in range((RB - TAIL) // L):
            idx1[pl.ds(t * L, L)] = jnp.full((L,), DUMP, jnp.int32)
        pltpu.sync_copy(
            feat_hbm.at[pl.ds(TAIL_BASE, RB), :], rows0.at[pl.ds(0, RB)]
        )
        pltpu.sync_copy(rows0.at[pl.ds(0, RB)], acc_sh.at[idx1], add=True)

    plsc.subcore_barrier()

    r0 = sid * ROWS_PER_TILE
    pltpu.sync_copy(
        acc_sh.at[pl.ds(r0, ROWS_PER_TILE)],
        out_hbm.at[cid, pl.ds(r0, ROWS_PER_TILE), :],
    )


_segsum = pl.kernel(
    _body,
    out_type=jax.ShapeDtypeStruct((NC, B, F), jnp.float32),
    mesh=plsc.VectorSubcoreMesh(core_axis_name="c", subcore_axis_name="s"),
    scratch_types=[
        pltpu.VMEM((CPT, RB), jnp.int32),
        pltpu.VMEM((RB,), jnp.int32),
        pltpu.VMEM((SLAB, F), jnp.float32),
        pltpu.VMEM((SLAB, F), jnp.float32),
        pltpu.VMEM((RB, F), jnp.float32),
        pltpu.VMEM((ZROWS, F), jnp.float32),
        pltpu.VMEM_SHARED((B + 8, F), jnp.float32),
        pltpu.SemaphoreType.DMA,
        pltpu.SemaphoreType.DMA,
        pltpu.SemaphoreType.DMA,
        pltpu.SemaphoreType.DMA,
        pltpu.SemaphoreType.DMA,
        pltpu.SemaphoreType.DMA,
    ],
    compiler_params=pltpu.CompilerParams(use_tc_tiling_on_sc=False),
)


def _tc_body(mem_ref, rows_ref, out_ref):
    g = pl.program_id(0)

    @pl.when(g == 0)
    def _():
        out_ref[...] = jnp.zeros_like(out_ref)

    m = mem_ref[0, 0, :]
    rb = rows_ref[...].astype(jnp.bfloat16)
    m_lo = jnp.min(m)
    m_hi = jnp.max(m)
    w0 = pl.multiple_of(jnp.minimum((m_lo // 8) * 8, B - WIN), 8)
    narrow = (m_hi - w0) < WIN

    @pl.when(narrow)
    def _():
        ids = lax.broadcasted_iota(jnp.int32, (WIN, KB), 0) + w0
        oh = (ids == m[None, :]).astype(jnp.bfloat16)
        mm = lax.dot_general(
            oh, rb, (((1,), (0,)), ((), ())),
            preferred_element_type=jnp.float32,
        )
        out_ref[pl.ds(w0, WIN), :] += mm

    @pl.when(jnp.logical_not(narrow))
    def _():
        ids = lax.broadcasted_iota(jnp.int32, (B, KB), 0)
        oh = (ids == m[None, :]).astype(jnp.bfloat16)
        mm = lax.dot_general(
            oh, rb, (((1,), (0,)), ((), ())),
            preferred_element_type=jnp.float32,
        )
        out_ref[...] += mm


_tc_segsum = pl.pallas_call(
    _tc_body,
    grid=(NB_TC,),
    in_specs=[
        pl.BlockSpec((1, 1, KB), lambda g: (g, 0, 0)),
        pl.BlockSpec((KB, F), lambda g: (g, 0)),
    ],
    out_specs=pl.BlockSpec((B, F), lambda g: (0, 0)),
    out_shape=jax.ShapeDtypeStruct((B, F), jnp.float32),
)


@jax.jit
def kernel(atom_features, deg_slice, membership):
    del deg_slice
    m32 = membership.astype(jnp.int32)
    partials = _segsum(atom_features, m32)
    mem_tc = m32[:R_TC].reshape(NB_TC, 1, KB)
    tc_part = _tc_segsum(mem_tc, atom_features)
    return partials[0] + partials[1] + tc_part

# --- scband reference (transcript-rebuilt; emitter-appended) ---
"""Pipeline reference for scband-graph-gather-12721693131106 (READ-ONLY COPY).

The authoritative reference and input builder live on the scoring server;
editing this copy changes nothing except your own understanding.
"""

import jax, jax.numpy as jnp
import numpy as np

BATCH_SIZE = 1024
N_ATOMS = 100000
N_FEAT = 128

def setup_inputs(seed: int = 0) -> dict:
    key = jax.random.key(seed)
    k1, k2 = jax.random.split(key)
    atom_features = jax.random.normal(k1, (N_ATOMS, N_FEAT), dtype=jnp.float32)
    deg_slice = jnp.zeros((11, 2), dtype=jnp.int64)
    membership = jnp.sort(jax.random.randint(k2, (N_ATOMS,), 0, BATCH_SIZE)).astype(jnp.int64)
    return {"atom_features": atom_features, "deg_slice": deg_slice, "membership": membership}

def reference(atom_features, deg_slice, membership):
    # graph_gather: dynamic_partition by membership + per-partition reduce_sum + concat
    # == segment_sum over membership with num_segments=batch_size
    mol_features = jax.ops.segment_sum(atom_features, membership, num_segments=BATCH_SIZE)
    # activation is 'linear' (identity)
    return mol_features

if __name__ == "__main__":
    import jax
    _d = setup_inputs()
    print(jax.jit(kernel)(*tuple(_d.values())))

</pallas_src>

<mosaic_0001>
#map = affine_map<(d0, d1) -> (0, 0)>
#map1 = affine_map<(d0, d1) -> (0)>
#map2 = affine_map<(d0, d1) -> (0, 0, 0)>
module attributes {stable_mosaic.version = 14 : i64} {
  func.func @_body(%arg0: i32, %arg1: i32, %arg2: memref<100000x128xf32, #tpu.memory_space<hbm>>, %arg3: memref<100000xi32, #tpu.memory_space<hbm>>, %arg4: memref<2x1024x128xf32, #tpu.memory_space<hbm>>, %arg5: memref<18x128xi32, #tpu.memory_space<vmem>>, %arg6: memref<128xi32, #tpu.memory_space<vmem>>, %arg7: memref<256x128xf32, #tpu.memory_space<vmem>>, %arg8: memref<256x128xf32, #tpu.memory_space<vmem>>, %arg9: memref<128x128xf32, #tpu.memory_space<vmem>>, %arg10: memref<16x128xf32, #tpu.memory_space<vmem>>, %arg11: memref<1032x128xf32, #tpu.memory_space<vmem_shared>>, %arg12: memref<!tpu.dma_semaphore, #tpu.memory_space<semaphore_mem>>, %arg13: memref<!tpu.dma_semaphore, #tpu.memory_space<semaphore_mem>>, %arg14: memref<!tpu.dma_semaphore, #tpu.memory_space<semaphore_mem>>, %arg15: memref<!tpu.dma_semaphore, #tpu.memory_space<semaphore_mem>>, %arg16: memref<!tpu.dma_semaphore, #tpu.memory_space<semaphore_mem>>, %arg17: memref<!tpu.dma_semaphore, #tpu.memory_space<semaphore_mem>>) attributes {dimension_semantics = [#tpu.dimension_semantics<core_parallel>, #tpu.dimension_semantics<subcore_parallel>], iteration_bounds = array<i64: 2, 16>, scalar_prefetch = 0 : i64, scratch_operands = 13 : i64, tpu.core_type = #tpu.core_type<sc_vector_subcore>, window_params = [{transform_indices = #map}, {transform_indices = #map1}, {transform_indices = #map2}]} {
    %mul3A = arith.constant 16 : i32
    %mul3A_0 = arith.muli %arg0, %mul3A : i32
    %add3A = arith.addi %mul3A_0, %arg1 : i32
    %mul3A_1 = arith.constant 16 : i32
    %mul3A_2 = arith.muli %add3A, %mul3A_1 : i32
    %add3A_3 = arith.constant 232 : i32
    %add3A_4 = arith.addi %add3A_3, %mul3A_2 : i32
    %add3A_5 = arith.constant 0 : i32
    %add3A_6 = arith.addi %add3A_4, %add3A_5 : i32
    %mul3A_7 = arith.constant 128 : i32
    %mul3A_8 = arith.muli %add3A_6, %mul3A_7 : i32
    %dma_start3A = arith.constant 0 : i32
    %dma_start3A_9 = tpu.memref_slice %arg2[%mul3A_8, %dma_start3A] : memref<100000x128xf32, #tpu.memory_space<hbm>> -> memref<256x128xf32, #tpu.memory_space<hbm>>
    %dma_start3A_10 = arith.constant 0 : i32
    %dma_start3A_11 = tpu.memref_slice %arg2[%mul3A_8, %dma_start3A_10] : memref<100000x128xf32, #tpu.memory_space<hbm>> -> memref<256x128xf32, #tpu.memory_space<hbm>>
    tpu.enqueue_dma source(%dma_start3A_11 : memref<256x128xf32, #tpu.memory_space<hbm>>) target(%arg7 : memref<256x128xf32, #tpu.memory_space<vmem>>) target_semaphore(%arg12 : memref<!tpu.dma_semaphore, #tpu.memory_space<semaphore_mem>>)
    %add3A_12 = arith.constant 744 : i32
    %add3A_13 = arith.addi %add3A_12, %add3A : i32
    %mul3A_14 = arith.constant 128 : i32
    %mul3A_15 = arith.muli %add3A_13, %mul3A_14 : i32
    %dma_start3A_16 = arith.constant 0 : i32
    %dma_start3A_17 = tpu.memref_slice %arg2[%mul3A_15, %dma_start3A_16] : memref<100000x128xf32, #tpu.memory_space<hbm>> -> memref<128x128xf32, #tpu.memory_space<hbm>>
    %dma_start3A_18 = arith.constant 0 : i32
    %dma_start3A_19 = tpu.memref_slice %arg2[%mul3A_15, %dma_start3A_18] : memref<100000x128xf32, #tpu.memory_space<hbm>> -> memref<128x128xf32, #tpu.memory_space<hbm>>
    tpu.enqueue_dma source(%dma_start3A_19 : memref<128x128xf32, #tpu.memory_space<hbm>>) target(%arg9 : memref<128x128xf32, #tpu.memory_space<vmem>>) target_semaphore(%arg14 : memref<!tpu.dma_semaphore, #tpu.memory_space<semaphore_mem>>)
    %add3A_20 = arith.constant 744 : i32
    %add3A_21 = arith.addi %add3A_20, %add3A : i32
    %mul3A_22 = arith.constant 128 : i32
    %mul3A_23 = arith.muli %add3A_21, %mul3A_22 : i32
    %dma_start3A_24 = arith.constant 16 : i32
    %dma_start3A_25 = arith.constant 0 : i32
    %dma_start3A_26 = tpu.memref_slice %arg5[%dma_start3A_24, %dma_start3A_25] : memref<18x128xi32, #tpu.memory_space<vmem>> -> memref<1x128xi32, #tpu.memory_space<vmem>>
    %dma_start3A_27 = tpu.memref_squeeze %dma_start3A_26 : memref<1x128xi32, #tpu.memory_space<vmem>> -> memref<128xi32, #tpu.memory_space<vmem>>
    %dma_start3A_28 = tpu.memref_slice %arg3[%mul3A_23] : memref<100000xi32, #tpu.memory_space<hbm>> -> memref<128xi32, #tpu.memory_space<hbm>>
    %dma_start3A_29 = arith.constant 0 : i32
    %dma_start3A_30 = tpu.memref_slice %arg5[%dma_start3A_24, %dma_start3A_29] : memref<18x128xi32, #tpu.memory_space<vmem>> -> memref<1x128xi32, #tpu.memory_space<vmem>>
    %dma_start3A_31 = tpu.memref_squeeze %dma_start3A_30 : memref<1x128xi32, #tpu.memory_space<vmem>> -> memref<128xi32, #tpu.memory_space<vmem>>
    %dma_start3A_32 = tpu.memref_slice %arg3[%mul3A_23] : memref<100000xi32, #tpu.memory_space<hbm>> -> memref<128xi32, #tpu.memory_space<hbm>>
    tpu.enqueue_dma source(%dma_start3A_32 : memref<128xi32, #tpu.memory_space<hbm>>) target(%dma_start3A_31 : memref<128xi32, #tpu.memory_space<vmem>>) target_semaphore(%arg15 : memref<!tpu.dma_semaphore, #tpu.memory_space<semaphore_mem>>)
    %lt3A = arith.constant 5 : i32
    %lt3A_33 = arith.cmpi slt, %add3A, %lt3A : i32
    %convert_element_type3A = arith.extui %lt3A_33 : i1 to i32
    %cond3A = arith.constant 0 : i32
    %cond3A_34 = arith.cmpi ne, %convert_element_type3A, %cond3A : i32
    scf.if %cond3A_34 {
      %add3A_211 = arith.constant 776 : i32
      %add3A_212 = arith.addi %add3A_211, %add3A : i32
      %mul3A_213 = arith.constant 128 : i32
      %mul3A_214 = arith.muli %add3A_212, %mul3A_213 : i32
      %dma_start3A_215 = arith.constant 17 : i32
      %dma_start3A_216 = arith.constant 0 : i32
      %dma_start3A_217 = tpu.memref_slice %arg5[%dma_start3A_215, %dma_start3A_216] : memref<18x128xi32, #tpu.memory_space<vmem>> -> memref<1x128xi32, #tpu.memory_space<vmem>>
      %dma_start3A_218 = tpu.memref_squeeze %dma_start3A_217 : memref<1x128xi32, #tpu.memory_space<vmem>> -> memref<128xi32, #tpu.memory_space<vmem>>
      %dma_start3A_219 = tpu.memref_slice %arg3[%mul3A_214] : memref<100000xi32, #tpu.memory_space<hbm>> -> memref<128xi32, #tpu.memory_space<hbm>>
      %dma_start3A_220 = arith.constant 0 : i32
      %dma_start3A_221 = tpu.memref_slice %arg5[%dma_start3A_215, %dma_start3A_220] : memref<18x128xi32, #tpu.memory_space<vmem>> -> memref<1x128xi32, #tpu.memory_space<vmem>>
      %dma_start3A_222 = tpu.memref_squeeze %dma_start3A_221 : memref<1x128xi32, #tpu.memory_space<vmem>> -> memref<128xi32, #tpu.memory_space<vmem>>
      %dma_start3A_223 = tpu.memref_slice %arg3[%mul3A_214] : memref<100000xi32, #tpu.memory_space<hbm>> -> memref<128xi32, #tpu.memory_space<hbm>>
      tpu.enqueue_dma source(%dma_start3A_223 : memref<128xi32, #tpu.memory_space<hbm>>) target(%dma_start3A_222 : memref<128xi32, #tpu.memory_space<vmem>>) target_semaphore(%arg15 : memref<!tpu.dma_semaphore, #tpu.memory_space<semaphore_mem>>)
    } else {
    }
    %scan3A = arith.constant 0 : i32
    %scan3A_35 = arith.constant 0 : i32
    %scan3A_36 = arith.constant 16 : i32
    %scan3A_37 = arith.addi %scan3A_35, %scan3A_36 : i32
    %scan3A_38 = arith.constant 1 : i32
    %scan3A_39 = scf.for %scan3A_211 = %scan3A_35 to %scan3A_37 step %scan3A_38 iter_args(%scan3A_212 = %scan3A) -> (i32)  : i32 {
      %add3A_213 = arith.addi %add3A_4, %scan3A_211 : i32
      %mul3A_214 = arith.constant 128 : i32
      %mul3A_215 = arith.muli %add3A_213, %mul3A_214 : i32
      %dma_start3A_216 = arith.constant 0 : i32
      %dma_start3A_217 = tpu.memref_slice %arg5[%scan3A_211, %dma_start3A_216] : memref<18x128xi32, #tpu.memory_space<vmem>> -> memref<1x128xi32, #tpu.memory_space<vmem>>
      %dma_start3A_218 = tpu.memref_squeeze %dma_start3A_217 : memref<1x128xi32, #tpu.memory_space<vmem>> -> memref<128xi32, #tpu.memory_space<vmem>>
      %dma_start3A_219 = tpu.memref_slice %arg3[%mul3A_215] : memref<100000xi32, #tpu.memory_space<hbm>> -> memref<128xi32, #tpu.memory_space<hbm>>
      %dma_start3A_220 = arith.constant 0 : i32
      %dma_start3A_221 = tpu.memref_slice %arg5[%scan3A_211, %dma_start3A_220] : memref<18x128xi32, #tpu.memory_space<vmem>> -> memref<1x128xi32, #tpu.memory_space<vmem>>
      %dma_start3A_222 = tpu.memref_squeeze %dma_start3A_221 : memref<1x128xi32, #tpu.memory_space<vmem>> -> memref<128xi32, #tpu.memory_space<vmem>>
      %dma_start3A_223 = tpu.memref_slice %arg3[%mul3A_215] : memref<100000xi32, #tpu.memory_space<hbm>> -> memref<128xi32, #tpu.memory_space<hbm>>
      tpu.enqueue_dma source(%dma_start3A_223 : memref<128xi32, #tpu.memory_space<hbm>>) target(%dma_start3A_222 : memref<128xi32, #tpu.memory_space<vmem>>) target_semaphore(%arg15 : memref<!tpu.dma_semaphore, #tpu.memory_space<semaphore_mem>>)
      %scan3A_224 = arith.constant 0 : i32
      scf.yield %scan3A_224 : i32
    }
    %scan3A_40 = arith.constant 16 : i32
    %scan3A_41 = arith.constant 0 : i32
    %scan3A_42 = arith.constant 0 : i32
    %scan3A_43 = arith.constant 16 : i32
    %scan3A_44 = arith.addi %scan3A_42, %scan3A_43 : i32
    %scan3A_45 = arith.constant 1 : i32
    %scan3A_46 = scf.for %scan3A_211 = %scan3A_42 to %scan3A_44 step %scan3A_45 iter_args(%scan3A_212 = %scan3A_41) -> (i32)  : i32 {
      %broadcast_in_dim3A = arith.constant 0.000000e+00 : f32
      %broadcast_in_dim3A_213 = vector.broadcast %broadcast_in_dim3A : f32 to vector<16xf32>
      %swap3A = arith.index_cast %scan3A_211 : i32 to index
      %swap3A_214 = arith.constant 0 : index
      %swap3A_215 = tpu.vector_load %arg10[%swap3A, %swap3A_214] {strides = array<i32>} : memref<16x128xf32, #tpu.memory_space<vmem>>, vector<1x16xf32>,
      %swap3A_216 = vector.shape_cast %swap3A_215 : vector<1x16xf32> to vector<16xf32>
      %swap3A_217 = vector.shape_cast %broadcast_in_dim3A_213 : vector<16xf32> to vector<1x16xf32>
      tpu.vector_store %arg10[%swap3A, %swap3A_214], %swap3A_217 {strides = array<i32>} : memref<16x128xf32, #tpu.memory_space<vmem>>, vector<1x16xf32>,
      %broadcast_in_dim3A_218 = arith.constant 0.000000e+00 : f32
      %broadcast_in_dim3A_219 = vector.broadcast %broadcast_in_dim3A_218 : f32 to vector<16xf32>
      %swap3A_220 = arith.index_cast %scan3A_211 : i32 to index
      %swap3A_221 = arith.constant 16 : index
      %swap3A_222 = tpu.vector_load %arg10[%swap3A_220, %swap3A_221] {strides = array<i32>} : memref<16x128xf32, #tpu.memory_space<vmem>>, vector<1x16xf32>,
      %swap3A_223 = vector.shape_cast %swap3A_222 : vector<1x16xf32> to vector<16xf32>
      %swap3A_224 = vector.shape_cast %broadcast_in_dim3A_219 : vector<16xf32> to vector<1x16xf32>
      tpu.vector_store %arg10[%swap3A_220, %swap3A_221], %swap3A_224 {strides = array<i32>} : memref<16x128xf32, #tpu.memory_space<vmem>>, vector<1x16xf32>,
      %broadcast_in_dim3A_225 = arith.constant 0.000000e+00 : f32
      %broadcast_in_dim3A_226 = vector.broadcast %broadcast_in_dim3A_225 : f32 to vector<16xf32>
      %swap3A_227 = arith.index_cast %scan3A_211 : i32 to index
      %swap3A_228 = arith.constant 32 : index
      %swap3A_229 = tpu.vector_load %arg10[%swap3A_227, %swap3A_228] {strides = array<i32>} : memref<16x128xf32, #tpu.memory_space<vmem>>, vector<1x16xf32>,
      %swap3A_230 = vector.shape_cast %swap3A_229 : vector<1x16xf32> to vector<16xf32>
      %swap3A_231 = vector.shape_cast %broadcast_in_dim3A_226 : vector<16xf32> to vector<1x16xf32>
      tpu.vector_store %arg10[%swap3A_227, %swap3A_228], %swap3A_231 {strides = array<i32>} : memref<16x128xf32, #tpu.memory_space<vmem>>, vector<1x16xf32>,
      %broadcast_in_dim3A_232 = arith.constant 0.000000e+00 : f32
      %broadcast_in_dim3A_233 = vector.broadcast %broadcast_in_dim3A_232 : f32 to vector<16xf32>
      %swap3A_234 = arith.index_cast %scan3A_211 : i32 to index
      %swap3A_235 = arith.constant 48 : index
      %swap3A_236 = tpu.vector_load %arg10[%swap3A_234, %swap3A_235] {strides = array<i32>} : memref<16x128xf32, #tpu.memory_space<vmem>>, vector<1x16xf32>,
      %swap3A_237 = vector.shape_cast %swap3A_236 : vector<1x16xf32> to vector<16xf32>
      %swap3A_238 = vector.shape_cast %broadcast_in_dim3A_233 : vector<16xf32> to vector<1x16xf32>
      tpu.vector_store %arg10[%swap3A_234, %swap3A_235], %swap3A_238 {strides = array<i32>} : memref<16x128xf32, #tpu.memory_space<vmem>>, vector<1x16xf32>,
      %broadcast_in_dim3A_239 = arith.constant 0.000000e+00 : f32
      %broadcast_in_dim3A_240 = vector.broadcast %broadcast_in_dim3A_239 : f32 to vector<16xf32>
      %swap3A_241 = arith.index_cast %scan3A_211 : i32 to index
      %swap3A_242 = arith.constant 64 : index
      %swap3A_243 = tpu.vector_load %arg10[%swap3A_241, %swap3A_242] {strides = array<i32>} : memref<16x128xf32, #tpu.memory_space<vmem>>, vector<1x16xf32>,
      %swap3A_244 = vector.shape_cast %swap3A_243 : vector<1x16xf32> to vector<16xf32>
      %swap3A_245 = vector.shape_cast %broadcast_in_dim3A_240 : vector<16xf32> to vector<1x16xf32>
      tpu.vector_store %arg10[%swap3A_241, %swap3A_242], %swap3A_245 {strides = array<i32>} : memref<16x128xf32, #tpu.memory_space<vmem>>, vector<1x16xf32>,
      %broadcast_in_dim3A_246 = arith.constant 0.000000e+00 : f32
      %broadcast_in_dim3A_247 = vector.broadcast %broadcast_in_dim3A_246 : f32 to vector<16xf32>
      %swap3A_248 = arith.index_cast %scan3A_211 : i32 to index
      %swap3A_249 = arith.constant 80 : index
      %swap3A_250 = tpu.vector_load %arg10[%swap3A_248, %swap3A_249] {strides = array<i32>} : memref<16x128xf32, #tpu.memory_space<vmem>>, vector<1x16xf32>,
      %swap3A_251 = vector.shape_cast %swap3A_250 : vector<1x16xf32> to vector<16xf32>
      %swap3A_252 = vector.shape_cast %broadcast_in_dim3A_247 : vector<16xf32> to vector<1x16xf32>
      tpu.vector_store %arg10[%swap3A_248, %swap3A_249], %swap3A_252 {strides = array<i32>} : memref<16x128xf32, #tpu.memory_space<vmem>>, vector<1x16xf32>,
      %broadcast_in_dim3A_253 = arith.constant 0.000000e+00 : f32
      %broadcast_in_dim3A_254 = vector.broadcast %broadcast_in_dim3A_253 : f32 to vector<16xf32>
      %swap3A_255 = arith.index_cast %scan3A_211 : i32 to index
      %swap3A_256 = arith.constant 96 : index
      %swap3A_257 = tpu.vector_load %arg10[%swap3A_255, %swap3A_256] {strides = array<i32>} : memref<16x128xf32, #tpu.memory_space<vmem>>, vector<1x16xf32>,
      %swap3A_258 = vector.shape_cast %swap3A_257 : vector<1x16xf32> to vector<16xf32>
      %swap3A_259 = vector.shape_cast %broadcast_in_dim3A_254 : vector<16xf32> to vector<1x16xf32>
      tpu.vector_store %arg10[%swap3A_255, %swap3A_256], %swap3A_259 {strides = array<i32>} : memref<16x128xf32, #tpu.memory_space<vmem>>, vector<1x16xf32>,
      %broadcast_in_dim3A_260 = arith.constant 0.000000e+00 : f32
      %broadcast_in_dim3A_261 = vector.broadcast %broadcast_in_dim3A_260 : f32 to vector<16xf32>
      %swap3A_262 = arith.index_cast %scan3A_211 : i32 to index
      %swap3A_263 = arith.constant 112 : index
      %swap3A_264 = tpu.vector_load %arg10[%swap3A_262, %swap3A_263] {strides = array<i32>} : memref<16x128xf32, #tpu.memory_space<vmem>>, vector<1x16xf32>,
      %swap3A_265 = vector.shape_cast %swap3A_264 : vector<1x16xf32> to vector<16xf32>
      %swap3A_266 = vector.shape_cast %broadcast_in_dim3A_261 : vector<16xf32> to vector<1x16xf32>
      tpu.vector_store %arg10[%swap3A_262, %swap3A_263], %swap3A_266 {strides = array<i32>} : memref<16x128xf32, #tpu.memory_space<vmem>>, vector<1x16xf32>,
      %scan3A_267 = arith.constant 0 : i32
      scf.yield %scan3A_267 : i32
    }
    %scan3A_47 = arith.constant 16 : i32
    %scan3A_48 = arith.constant 0 : i32
    %scan3A_49 = arith.constant 0 : i32
    %scan3A_50 = arith.constant 16 : i32
    %scan3A_51 = arith.addi %scan3A_49, %scan3A_50 : i32
    %scan3A_52 = arith.constant 1 : i32
    %scan3A_53 = scf.for %scan3A_211 = %scan3A_49 to %scan3A_51 step %scan3A_52 iter_args(%scan3A_212 = %scan3A_48) -> (i32)  : i32 {
      %dma_wait3A_213 = arith.constant 0 : i32
      %dma_wait3A_214 = tpu.memref_slice %arg5[%scan3A_211, %dma_wait3A_213] : memref<18x128xi32, #tpu.memory_space<vmem>> -> memref<1x128xi32, #tpu.memory_space<vmem>>
      %dma_wait3A_215 = tpu.memref_squeeze %dma_wait3A_214 : memref<1x128xi32, #tpu.memory_space<vmem>> -> memref<128xi32, #tpu.memory_space<vmem>>
      %dma_wait3A_216 = arith.constant 0 : i32
      %dma_wait3A_217 = tpu.memref_slice %arg3[%dma_wait3A_216] : memref<100000xi32, #tpu.memory_space<hbm>> -> memref<128xi32, #tpu.memory_space<hbm>>
      %dma_wait3A_218 = arith.constant 0 : i32
      %dma_wait3A_219 = tpu.memref_slice %arg5[%scan3A_211, %dma_wait3A_218] : memref<18x128xi32, #tpu.memory_space<vmem>> -> memref<1x128xi32, #tpu.memory_space<vmem>>
      %dma_wait3A_220 = tpu.memref_squeeze %dma_wait3A_219 : memref<1x128xi32, #tpu.memory_space<vmem>> -> memref<128xi32, #tpu.memory_space<vmem>>
      %dma_wait3A_221 = arith.constant 0 : i32
      %dma_wait3A_222 = tpu.memref_slice %arg3[%dma_wait3A_221] : memref<100000xi32, #tpu.memory_space<hbm>> -> memref<128xi32, #tpu.memory_space<hbm>>
      tpu.wait_dma2 semaphore(%arg15 : memref<!tpu.dma_semaphore, #tpu.memory_space<semaphore_mem>>) src(%dma_wait3A_222 : memref<128xi32, #tpu.memory_space<hbm>>) dst(%dma_wait3A_220 : memref<128xi32, #tpu.memory_space<vmem>>)
      %scan3A_223 = arith.constant 0 : i32
      scf.yield %scan3A_223 : i32
    }
    %scan3A_54 = arith.constant 16 : i32
    %dma_wait3A = arith.constant 16 : i32
    %dma_wait3A_55 = arith.constant 0 : i32
    %dma_wait3A_56 = tpu.memref_slice %arg5[%dma_wait3A, %dma_wait3A_55] : memref<18x128xi32, #tpu.memory_space<vmem>> -> memref<1x128xi32, #tpu.memory_space<vmem>>
    %dma_wait3A_57 = tpu.memref_squeeze %dma_wait3A_56 : memref<1x128xi32, #tpu.memory_space<vmem>> -> memref<128xi32, #tpu.memory_space<vmem>>
    %dma_wait3A_58 = arith.constant 0 : i32
    %dma_wait3A_59 = tpu.memref_slice %arg3[%dma_wait3A_58] : memref<100000xi32, #tpu.memory_space<hbm>> -> memref<128xi32, #tpu.memory_space<hbm>>
    %dma_wait3A_60 = arith.constant 0 : i32
    %dma_wait3A_61 = tpu.memref_slice %arg5[%dma_wait3A, %dma_wait3A_60] : memref<18x128xi32, #tpu.memory_space<vmem>> -> memref<1x128xi32, #tpu.memory_space<vmem>>
    %dma_wait3A_62 = tpu.memref_squeeze %dma_wait3A_61 : memref<1x128xi32, #tpu.memory_space<vmem>> -> memref<128xi32, #tpu.memory_space<vmem>>
    %dma_wait3A_63 = arith.constant 0 : i32
    %dma_wait3A_64 = tpu.memref_slice %arg3[%dma_wait3A_63] : memref<100000xi32, #tpu.memory_space<hbm>> -> memref<128xi32, #tpu.memory_space<hbm>>
    tpu.wait_dma2 semaphore(%arg15 : memref<!tpu.dma_semaphore, #tpu.memory_space<semaphore_mem>>) src(%dma_wait3A_64 : memref<128xi32, #tpu.memory_space<hbm>>) dst(%dma_wait3A_62 : memref<128xi32, #tpu.memory_space<vmem>>)
    %lt3A_65 = arith.constant 5 : i32
    %lt3A_66 = arith.cmpi slt, %add3A, %lt3A_65 : i32
    %convert_element_type3A_67 = arith.extui %lt3A_66 : i1 to i32
    %cond3A_68 = arith.constant 0 : i32
    %cond3A_69 = arith.cmpi ne, %convert_element_type3A_67, %cond3A_68 : i32
    scf.if %cond3A_69 {
      %dma_wait3A_211 = arith.constant 17 : i32
      %dma_wait3A_212 = arith.constant 0 : i32
      %dma_wait3A_213 = tpu.memref_slice %arg5[%dma_wait3A_211, %dma_wait3A_212] : memref<18x128xi32, #tpu.memory_space<vmem>> -> memref<1x128xi32, #tpu.memory_space<vmem>>
      %dma_wait3A_214 = tpu.memref_squeeze %dma_wait3A_213 : memref<1x128xi32, #tpu.memory_space<vmem>> -> memref<128xi32, #tpu.memory_space<vmem>>
      %dma_wait3A_215 = arith.constant 0 : i32
      %dma_wait3A_216 = tpu.memref_slice %arg3[%dma_wait3A_215] : memref<100000xi32, #tpu.memory_space<hbm>> -> memref<128xi32, #tpu.memory_space<hbm>>
      %dma_wait3A_217 = arith.constant 0 : i32
      %dma_wait3A_218 = tpu.memref_slice %arg5[%dma_wait3A_211, %dma_wait3A_217] : memref<18x128xi32, #tpu.memory_space<vmem>> -> memref<1x128xi32, #tpu.memory_space<vmem>>
      %dma_wait3A_219 = tpu.memref_squeeze %dma_wait3A_218 : memref<1x128xi32, #tpu.memory_space<vmem>> -> memref<128xi32, #tpu.memory_space<vmem>>
      %dma_wait3A_220 = arith.constant 0 : i32
      %dma_wait3A_221 = tpu.memref_slice %arg3[%dma_wait3A_220] : memref<100000xi32, #tpu.memory_space<hbm>> -> memref<128xi32, #tpu.memory_space<hbm>>
      tpu.wait_dma2 semaphore(%arg15 : memref<!tpu.dma_semaphore, #tpu.memory_space<semaphore_mem>>) src(%dma_wait3A_221 : memref<128xi32, #tpu.memory_space<hbm>>) dst(%dma_wait3A_219 : memref<128xi32, #tpu.memory_space<vmem>>)
    } else {
    }
    %mul3A_70 = arith.constant 64 : i32
    %mul3A_71 = arith.muli %arg1, %mul3A_70 : i32
    %add3A_72 = arith.constant 0 : i32
    %add3A_73 = arith.addi %mul3A_71, %add3A_72 : i32
    "tpu.region"() ({
      %run_scoped3A_211 = tpu.sem_alloc : memref<!tpu.dma_semaphore, #tpu.memory_space<semaphore_mem>>
      %dma_start3A_212 = arith.constant 0 : i32
      %dma_start3A_213 = tpu.memref_slice %arg11[%add3A_73, %dma_start3A_212] : memref<1032x128xf32, #tpu.memory_space<vmem_shared>> -> memref<16x128xf32, #tpu.memory_space<vmem_shared>>
      %dma_start3A_214 = arith.constant 0 : i32
      %dma_start3A_215 = tpu.memref_slice %arg11[%add3A_73, %dma_start3A_214] : memref<1032x128xf32, #tpu.memory_space<vmem_shared>> -> memref<16x128xf32, #tpu.memory_space<vmem_shared>>
      tpu.enqueue_dma source(%arg10 : memref<16x128xf32, #tpu.memory_space<vmem>>) target(%dma_start3A_215 : memref<16x128xf32, #tpu.memory_space<vmem_shared>>) target_semaphore(%run_scoped3A_211 : memref<!tpu.dma_semaphore, #tpu.memory_space<semaphore_mem>>)
      %dma_wait3A_216 = arith.constant 0 : i32
      %dma_wait3A_217 = tpu.memref_slice %arg11[%add3A_73, %dma_wait3A_216] : memref<1032x128xf32, #tpu.memory_space<vmem_shared>> -> memref<16x128xf32, #tpu.memory_space<vmem_shared>>
      %dma_wait3A_218 = arith.constant 0 : i32
      %dma_wait3A_219 = tpu.memref_slice %arg11[%add3A_73, %dma_wait3A_218] : memref<1032x128xf32, #tpu.memory_space<vmem_shared>> -> memref<16x128xf32, #tpu.memory_space<vmem_shared>>
      tpu.wait_dma2 semaphore(%run_scoped3A_211 : memref<!tpu.dma_semaphore, #tpu.memory_space<semaphore_mem>>) src(%arg10 : memref<16x128xf32, #tpu.memory_space<vmem>>) dst(%dma_wait3A_219 : memref<16x128xf32, #tpu.memory_space<vmem_shared>>)
      tpu.yield
    }) : () -> ()
    %mul3A_74 = arith.constant 64 : i32
    %mul3A_75 = arith.muli %arg1, %mul3A_74 : i32
    %add3A_76 = arith.constant 16 : i32
    %add3A_77 = arith.addi %mul3A_75, %add3A_76 : i32
    "tpu.region"() ({
      %run_scoped3A_211 = tpu.sem_alloc : memref<!tpu.dma_semaphore, #tpu.memory_space<semaphore_mem>>
      %dma_start3A_212 = arith.constant 0 : i32
      %dma_start3A_213 = tpu.memref_slice %arg11[%add3A_77, %dma_start3A_212] : memref<1032x128xf32, #tpu.memory_space<vmem_shared>> -> memref<16x128xf32, #tpu.memory_space<vmem_shared>>
      %dma_start3A_214 = arith.constant 0 : i32
      %dma_start3A_215 = tpu.memref_slice %arg11[%add3A_77, %dma_start3A_214] : memref<1032x128xf32, #tpu.memory_space<vmem_shared>> -> memref<16x128xf32, #tpu.memory_space<vmem_shared>>
      tpu.enqueue_dma source(%arg10 : memref<16x128xf32, #tpu.memory_space<vmem>>) target(%dma_start3A_215 : memref<16x128xf32, #tpu.memory_space<vmem_shared>>) target_semaphore(%run_scoped3A_211 : memref<!tpu.dma_semaphore, #tpu.memory_space<semaphore_mem>>)
      %dma_wait3A_216 = arith.constant 0 : i32
      %dma_wait3A_217 = tpu.memref_slice %arg11[%add3A_77, %dma_wait3A_216] : memref<1032x128xf32, #tpu.memory_space<vmem_shared>> -> memref<16x128xf32, #tpu.memory_space<vmem_shared>>
      %dma_wait3A_218 = arith.constant 0 : i32
      %dma_wait3A_219 = tpu.memref_slice %arg11[%add3A_77, %dma_wait3A_218] : memref<1032x128xf32, #tpu.memory_space<vmem_shared>> -> memref<16x128xf32, #tpu.memory_space<vmem_shared>>
      tpu.wait_dma2 semaphore(%run_scoped3A_211 : memref<!tpu.dma_semaphore, #tpu.memory_space<semaphore_mem>>) src(%arg10 : memref<16x128xf32, #tpu.memory_space<vmem>>) dst(%dma_wait3A_219 : memref<16x128xf32, #tpu.memory_space<vmem_shared>>)
      tpu.yield
    }) : () -> ()
    %mul3A_78 = arith.constant 64 : i32
    %mul3A_79 = arith.muli %arg1, %mul3A_78 : i32
    %add3A_80 = arith.constant 32 : i32
    %add3A_81 = arith.addi %mul3A_79, %add3A_80 : i32
    "tpu.region"() ({
      %run_scoped3A_211 = tpu.sem_alloc : memref<!tpu.dma_semaphore, #tpu.memory_space<semaphore_mem>>
      %dma_start3A_212 = arith.constant 0 : i32
      %dma_start3A_213 = tpu.memref_slice %arg11[%add3A_81, %dma_start3A_212] : memref<1032x128xf32, #tpu.memory_space<vmem_shared>> -> memref<16x128xf32, #tpu.memory_space<vmem_shared>>
      %dma_start3A_214 = arith.constant 0 : i32
      %dma_start3A_215 = tpu.memref_slice %arg11[%add3A_81, %dma_start3A_214] : memref<1032x128xf32, #tpu.memory_space<vmem_shared>> -> memref<16x128xf32, #tpu.memory_space<vmem_shared>>
      tpu.enqueue_dma source(%arg10 : memref<16x128xf32, #tpu.memory_space<vmem>>) target(%dma_start3A_215 : memref<16x128xf32, #tpu.memory_space<vmem_shared>>) target_semaphore(%run_scoped3A_211 : memref<!tpu.dma_semaphore, #tpu.memory_space<semaphore_mem>>)
      %dma_wait3A_216 = arith.constant 0 : i32
      %dma_wait3A_217 = tpu.memref_slice %arg11[%add3A_81, %dma_wait3A_216] : memref<1032x128xf32, #tpu.memory_space<vmem_shared>> -> memref<16x128xf32, #tpu.memory_space<vmem_shared>>
      %dma_wait3A_218 = arith.constant 0 : i32
      %dma_wait3A_219 = tpu.memref_slice %arg11[%add3A_81, %dma_wait3A_218] : memref<1032x128xf32, #tpu.memory_space<vmem_shared>> -> memref<16x128xf32, #tpu.memory_space<vmem_shared>>
      tpu.wait_dma2 semaphore(%run_scoped3A_211 : memref<!tpu.dma_semaphore, #tpu.memory_space<semaphore_mem>>) src(%arg10 : memref<16x128xf32, #tpu.memory_space<vmem>>) dst(%dma_wait3A_219 : memref<16x128xf32, #tpu.memory_space<vmem_shared>>)
      tpu.yield
    }) : () -> ()
    %mul3A_82 = arith.constant 64 : i32
    %mul3A_83 = arith.muli %arg1, %mul3A_82 : i32
    %add3A_84 = arith.constant 48 : i32
    %add3A_85 = arith.addi %mul3A_83, %add3A_84 : i32
    "tpu.region"() ({
      %run_scoped3A_211 = tpu.sem_alloc : memref<!tpu.dma_semaphore, #tpu.memory_space<semaphore_mem>>
      %dma_start3A_212 = arith.constant 0 : i32
      %dma_start3A_213 = tpu.memref_slice %arg11[%add3A_85, %dma_start3A_212] : memref<1032x128xf32, #tpu.memory_space<vmem_shared>> -> memref<16x128xf32, #tpu.memory_space<vmem_shared>>
      %dma_start3A_214 = arith.constant 0 : i32
      %dma_start3A_215 = tpu.memref_slice %arg11[%add3A_85, %dma_start3A_214] : memref<1032x128xf32, #tpu.memory_space<vmem_shared>> -> memref<16x128xf32, #tpu.memory_space<vmem_shared>>
      tpu.enqueue_dma source(%arg10 : memref<16x128xf32, #tpu.memory_space<vmem>>) target(%dma_start3A_215 : memref<16x128xf32, #tpu.memory_space<vmem_shared>>) target_semaphore(%run_scoped3A_211 : memref<!tpu.dma_semaphore, #tpu.memory_space<semaphore_mem>>)
      %dma_wait3A_216 = arith.constant 0 : i32
      %dma_wait3A_217 = tpu.memref_slice %arg11[%add3A_85, %dma_wait3A_216] : memref<1032x128xf32, #tpu.memory_space<vmem_shared>> -> memref<16x128xf32, #tpu.memory_space<vmem_shared>>
      %dma_wait3A_218 = arith.constant 0 : i32
      %dma_wait3A_219 = tpu.memref_slice %arg11[%add3A_85, %dma_wait3A_218] : memref<1032x128xf32, #tpu.memory_space<vmem_shared>> -> memref<16x128xf32, #tpu.memory_space<vmem_shared>>
      tpu.wait_dma2 semaphore(%run_scoped3A_211 : memref<!tpu.dma_semaphore, #tpu.memory_space<semaphore_mem>>) src(%arg10 : memref<16x128xf32, #tpu.memory_space<vmem>>) dst(%dma_wait3A_219 : memref<16x128xf32, #tpu.memory_space<vmem_shared>>)
      tpu.yield
    }) : () -> ()
    %barrier3A = arith.constant 0 : index
    tpu.barrier barrier_id(%barrier3A)
    %dma_wait3A_86 = arith.constant 0 : i32
    %dma_wait3A_87 = arith.constant 0 : i32
    %dma_wait3A_88 = tpu.memref_slice %arg2[%dma_wait3A_86, %dma_wait3A_87] : memref<100000x128xf32, #tpu.memory_space<hbm>> -> memref<256x128xf32, #tpu.memory_space<hbm>>
    %dma_wait3A_89 = arith.constant 0 : i32
    %dma_wait3A_90 = arith.constant 0 : i32
    %dma_wait3A_91 = tpu.memref_slice %arg2[%dma_wait3A_89, %dma_wait3A_90] : memref<100000x128xf32, #tpu.memory_space<hbm>> -> memref<256x128xf32, #tpu.memory_space<hbm>>
    tpu.wait_dma2 semaphore(%arg12 : memref<!tpu.dma_semaphore, #tpu.memory_space<semaphore_mem>>) src(%dma_wait3A_91 : memref<256x128xf32, #tpu.memory_space<hbm>>) dst(%arg7 : memref<256x128xf32, #tpu.memory_space<vmem>>)
    %dma_start3A_92 = arith.constant 0 : i32
    %dma_start3A_93 = arith.constant 0 : i32
    %dma_start3A_94 = arith.constant 0 : i32
    %dma_start3A_95 = tpu.memref_slice %arg7[%dma_start3A_93, %dma_start3A_94] : memref<256x128xf32, #tpu.memory_space<vmem>> -> memref<128x128xf32, #tpu.memory_space<vmem>>
    %dma_start3A_96 = arith.constant 0 : i32
    %dma_start3A_97 = tpu.memref_slice %arg5[%dma_start3A_92, %dma_start3A_96] : memref<18x128xi32, #tpu.memory_space<vmem>> -> memref<1x128xi32, #tpu.memory_space<vmem>>
    %dma_start3A_98 = tpu.memref_squeeze %dma_start3A_97 : memref<1x128xi32, #tpu.memory_space<vmem>> -> memref<128xi32, #tpu.memory_space<vmem>>
    %dma_start3A_99 = arith.constant 0 : i32
    %dma_start3A_100 = arith.constant 0 : i32
    %dma_start3A_101 = tpu.memref_slice %arg11[%dma_start3A_99, %dma_start3A_100] : memref<1032x128xf32, #tpu.memory_space<vmem_shared>> -> memref<1032x128xf32, #tpu.memory_space<vmem_shared>>
    tpu.enqueue_indirect_dma source(%dma_start3A_95 : memref<128x128xf32, #tpu.memory_space<vmem>>) target(%dma_start3A_101 : memref<1032x128xf32, #tpu.memory_space<vmem_shared>>) offsets(%dma_start3A_98 : memref<128xi32, #tpu.memory_space<vmem>>) semaphore(%arg16 : memref<!tpu.dma_semaphore, #tpu.memory_space<semaphore_mem>>) {add = true}
    %dma_start3A_102 = arith.constant 1 : i32
    %dma_start3A_103 = arith.constant 128 : i32
    %dma_start3A_104 = arith.constant 0 : i32
    %dma_start3A_105 = tpu.memref_slice %arg7[%dma_start3A_103, %dma_start3A_104] : memref<256x128xf32, #tpu.memory_space<vmem>> -> memref<128x128xf32, #tpu.memory_space<vmem>>
    %dma_start3A_106 = arith.constant 0 : i32
    %dma_start3A_107 = tpu.memref_slice %arg5[%dma_start3A_102, %dma_start3A_106] : memref<18x128xi32, #tpu.memory_space<vmem>> -> memref<1x128xi32, #tpu.memory_space<vmem>>
    %dma_start3A_108 = tpu.memref_squeeze %dma_start3A_107 : memref<1x128xi32, #tpu.memory_space<vmem>> -> memref<128xi32, #tpu.memory_space<vmem>>
    %dma_start3A_109 = arith.constant 0 : i32
    %dma_start3A_110 = arith.constant 0 : i32
    %dma_start3A_111 = tpu.memref_slice %arg11[%dma_start3A_109, %dma_start3A_110] : memref<1032x128xf32, #tpu.memory_space<vmem_shared>> -> memref<1032x128xf32, #tpu.memory_space<vmem_shared>>
    tpu.enqueue_indirect_dma source(%dma_start3A_105 : memref<128x128xf32, #tpu.memory_space<vmem>>) target(%dma_start3A_111 : memref<1032x128xf32, #tpu.memory_space<vmem_shared>>) offsets(%dma_start3A_108 : memref<128xi32, #tpu.memory_space<vmem>>) semaphore(%arg16 : memref<!tpu.dma_semaphore, #tpu.memory_space<semaphore_mem>>) {add = true}
    %add3A_112 = arith.constant 2 : i32
    %add3A_113 = arith.addi %add3A_4, %add3A_112 : i32
    %mul3A_114 = arith.constant 128 : i32
    %mul3A_115 = arith.muli %add3A_113, %mul3A_114 : i32
    %dma_start3A_116 = arith.constant 0 : i32
    %dma_start3A_117 = tpu.memref_slice %arg2[%mul3A_115, %dma_start3A_116] : memref<100000x128xf32, #tpu.memory_space<hbm>> -> memref<256x128xf32, #tpu.memory_space<hbm>>
    %dma_start3A_118 = arith.constant 0 : i32
    %dma_start3A_119 = tpu.memref_slice %arg2[%mul3A_115, %dma_start3A_118] : memref<100000x128xf32, #tpu.memory_space<hbm>> -> memref<256x128xf32, #tpu.memory_space<hbm>>
    tpu.enqueue_dma source(%dma_start3A_119 : memref<256x128xf32, #tpu.memory_space<hbm>>) target(%arg8 : memref<256x128xf32, #tpu.memory_space<vmem>>) target_semaphore(%arg13 : memref<!tpu.dma_semaphore, #tpu.memory_space<semaphore_mem>>)
    %scan3A_120 = arith.constant 0 : i32
    %scan3A_121 = arith.constant 0 : i32
    %scan3A_122 = arith.constant 3 : i32
    %scan3A_123 = arith.addi %scan3A_121, %scan3A_122 : i32
    %scan3A_124 = arith.constant 1 : i32
    %scan3A_125 = scf.for %scan3A_211 = %scan3A_121 to %scan3A_123 step %scan3A_124 iter_args(%scan3A_212 = %scan3A_120) -> (i32)  : i32 {
      %mul3A_213 = arith.constant 2 : i32
      %mul3A_214 = arith.muli %mul3A_213, %scan3A_211 : i32
      %add3A_215 = arith.constant 1 : i32
      %add3A_216 = arith.addi %add3A_215, %mul3A_214 : i32
      %dma_wait3A_217 = arith.constant 0 : i32
      %dma_wait3A_218 = arith.constant 0 : i32
      %dma_wait3A_219 = tpu.memref_slice %arg2[%dma_wait3A_217, %dma_wait3A_218] : memref<100000x128xf32, #tpu.memory_space<hbm>> -> memref<256x128xf32, #tpu.memory_space<hbm>>
      %dma_wait3A_220 = arith.constant 0 : i32
      %dma_wait3A_221 = arith.constant 0 : i32
      %dma_wait3A_222 = tpu.memref_slice %arg2[%dma_wait3A_220, %dma_wait3A_221] : memref<100000x128xf32, #tpu.memory_space<hbm>> -> memref<256x128xf32, #tpu.memory_space<hbm>>
      tpu.wait_dma2 semaphore(%arg13 : memref<!tpu.dma_semaphore, #tpu.memory_space<semaphore_mem>>) src(%dma_wait3A_222 : memref<256x128xf32, #tpu.memory_space<hbm>>) dst(%arg8 : memref<256x128xf32, #tpu.memory_space<vmem>>)
      %mul3A_223 = arith.constant 2 : i32
      %mul3A_224 = arith.muli %mul3A_223, %add3A_216 : i32
      %add3A_225 = arith.constant 0 : i32
      %add3A_226 = arith.addi %mul3A_224, %add3A_225 : i32
      %dma_start3A_227 = arith.constant 0 : i32
      %dma_start3A_228 = arith.constant 0 : i32
      %dma_start3A_229 = tpu.memref_slice %arg8[%dma_start3A_227, %dma_start3A_228] : memref<256x128xf32, #tpu.memory_space<vmem>> -> memref<128x128xf32, #tpu.memory_space<vmem>>
      %dma_start3A_230 = arith.constant 0 : i32
      %dma_start3A_231 = tpu.memref_slice %arg5[%add3A_226, %dma_start3A_230] : memref<18x128xi32, #tpu.memory_space<vmem>> -> memref<1x128xi32, #tpu.memory_space<vmem>>
      %dma_start3A_232 = tpu.memref_squeeze %dma_start3A_231 : memref<1x128xi32, #tpu.memory_space<vmem>> -> memref<128xi32, #tpu.memory_space<vmem>>
      %dma_start3A_233 = arith.constant 0 : i32
      %dma_start3A_234 = arith.constant 0 : i32
      %dma_start3A_235 = tpu.memref_slice %arg11[%dma_start3A_233, %dma_start3A_234] : memref<1032x128xf32, #tpu.memory_space<vmem_shared>> -> memref<1032x128xf32, #tpu.memory_space<vmem_shared>>
      tpu.enqueue_indirect_dma source(%dma_start3A_229 : memref<128x128xf32, #tpu.memory_space<vmem>>) target(%dma_start3A_235 : memref<1032x128xf32, #tpu.memory_space<vmem_shared>>) offsets(%dma_start3A_232 : memref<128xi32, #tpu.memory_space<vmem>>) semaphore(%arg17 : memref<!tpu.dma_semaphore, #tpu.memory_space<semaphore_mem>>) {add = true}
      %mul3A_236 = arith.constant 2 : i32
      %mul3A_237 = arith.muli %mul3A_236, %add3A_216 : i32
      %add3A_238 = arith.constant 1 : i32
      %add3A_239 = arith.addi %mul3A_237, %add3A_238 : i32
      %dma_start3A_240 = arith.constant 128 : i32
      %dma_start3A_241 = arith.constant 0 : i32
      %dma_start3A_242 = tpu.memref_slice %arg8[%dma_start3A_240, %dma_start3A_241] : memref<256x128xf32, #tpu.memory_space<vmem>> -> memref<128x128xf32, #tpu.memory_space<vmem>>
      %dma_start3A_243 = arith.constant 0 : i32
      %dma_start3A_244 = tpu.memref_slice %arg5[%add3A_239, %dma_start3A_243] : memref<18x128xi32, #tpu.memory_space<vmem>> -> memref<1x128xi32, #tpu.memory_space<vmem>>
      %dma_start3A_245 = tpu.memref_squeeze %dma_start3A_244 : memref<1x128xi32, #tpu.memory_space<vmem>> -> memref<128xi32, #tpu.memory_space<vmem>>
      %dma_start3A_246 = arith.constant 0 : i32
      %dma_start3A_247 = arith.constant 0 : i32
      %dma_start3A_248 = tpu.memref_slice %arg11[%dma_start3A_246, %dma_start3A_247] : memref<1032x128xf32, #tpu.memory_space<vmem_shared>> -> memref<1032x128xf32, #tpu.memory_space<vmem_shared>>
      tpu.enqueue_indirect_dma source(%dma_start3A_242 : memref<128x128xf32, #tpu.memory_space<vmem>>) target(%dma_start3A_248 : memref<1032x128xf32, #tpu.memory_space<vmem_shared>>) offsets(%dma_start3A_245 : memref<128xi32, #tpu.memory_space<vmem>>) semaphore(%arg17 : memref<!tpu.dma_semaphore, #tpu.memory_space<semaphore_mem>>) {add = true}
      %dma_wait3A_249 = arith.constant 0 : i32
      %dma_wait3A_250 = arith.constant 0 : i32
      %dma_wait3A_251 = arith.constant 0 : i32
      %dma_wait3A_252 = tpu.memref_slice %arg7[%dma_wait3A_250, %dma_wait3A_251] : memref<256x128xf32, #tpu.memory_space<vmem>> -> memref<128x128xf32, #tpu.memory_space<vmem>>
      %dma_wait3A_253 = arith.constant 0 : i32
      %dma_wait3A_254 = tpu.memref_slice %arg5[%dma_wait3A_249, %dma_wait3A_253] : memref<18x128xi32, #tpu.memory_space<vmem>> -> memref<1x128xi32, #tpu.memory_space<vmem>>
      %dma_wait3A_255 = tpu.memref_squeeze %dma_wait3A_254 : memref<1x128xi32, #tpu.memory_space<vmem>> -> memref<128xi32, #tpu.memory_space<vmem>>
      %dma_wait3A_256 = arith.constant 0 : i32
      %dma_wait3A_257 = arith.constant 0 : i32
      %dma_wait3A_258 = tpu.memref_slice %arg11[%dma_wait3A_256, %dma_wait3A_257] : memref<1032x128xf32, #tpu.memory_space<vmem_shared>> -> memref<1032x128xf32, #tpu.memory_space<vmem_shared>>
      tpu.wait_indirect_dma semaphore(%arg16 : memref<!tpu.dma_semaphore, #tpu.memory_space<semaphore_mem>>) src(%dma_wait3A_252 : memref<128x128xf32, #tpu.memory_space<vmem>>) dst(%dma_wait3A_258 : memref<1032x128xf32, #tpu.memory_space<vmem_shared>>)
      %dma_wait3A_259 = arith.constant 0 : i32
      %dma_wait3A_260 = arith.constant 128 : i32
      %dma_wait3A_261 = arith.constant 0 : i32
      %dma_wait3A_262 = tpu.memref_slice %arg7[%dma_wait3A_260, %dma_wait3A_261] : memref<256x128xf32, #tpu.memory_space<vmem>> -> memref<128x128xf32, #tpu.memory_space<vmem>>
      %dma_wait3A_263 = arith.constant 0 : i32
      %dma_wait3A_264 = tpu.memref_slice %arg5[%dma_wait3A_259, %dma_wait3A_263] : memref<18x128xi32, #tpu.memory_space<vmem>> -> memref<1x128xi32, #tpu.memory_space<vmem>>
      %dma_wait3A_265 = tpu.memref_squeeze %dma_wait3A_264 : memref<1x128xi32, #tpu.memory_space<vmem>> -> memref<128xi32, #tpu.memory_space<vmem>>
      %dma_wait3A_266 = arith.constant 0 : i32
      %dma_wait3A_267 = arith.constant 0 : i32
      %dma_wait3A_268 = tpu.memref_slice %arg11[%dma_wait3A_266, %dma_wait3A_267] : memref<1032x128xf32, #tpu.memory_space<vmem_shared>> -> memref<1032x128xf32, #tpu.memory_space<vmem_shared>>
      tpu.wait_indirect_dma semaphore(%arg16 : memref<!tpu.dma_semaphore, #tpu.memory_space<semaphore_mem>>) src(%dma_wait3A_262 : memref<128x128xf32, #tpu.memory_space<vmem>>) dst(%dma_wait3A_268 : memref<1032x128xf32, #tpu.memory_space<vmem_shared>>)
      %add3A_269 = arith.constant 1 : i32
      %add3A_270 = arith.addi %add3A_216, %add3A_269 : i32
      %mul3A_271 = arith.constant 2 : i32
      %mul3A_272 = arith.muli %mul3A_271, %add3A_270 : i32
      %add3A_273 = arith.addi %add3A_4, %mul3A_272 : i32
      %mul3A_274 = arith.constant 128 : i32
      %mul3A_275 = arith.muli %add3A_273, %mul3A_274 : i32
      %dma_start3A_276 = arith.constant 0 : i32
      %dma_start3A_277 = tpu.memref_slice %arg2[%mul3A_275, %dma_start3A_276] : memref<100000x128xf32, #tpu.memory_space<hbm>> -> memref<256x128xf32, #tpu.memory_space<hbm>>
      %dma_start3A_278 = arith.constant 0 : i32
      %dma_start3A_279 = tpu.memref_slice %arg2[%mul3A_275, %dma_start3A_278] : memref<100000x128xf32, #tpu.memory_space<hbm>> -> memref<256x128xf32, #tpu.memory_space<hbm>>
      tpu.enqueue_dma source(%dma_start3A_279 : memref<256x128xf32, #tpu.memory_space<hbm>>) target(%arg7 : memref<256x128xf32, #tpu.memory_space<vmem>>) target_semaphore(%arg12 : memref<!tpu.dma_semaphore, #tpu.memory_space<semaphore_mem>>)
      %dma_wait3A_280 = arith.constant 0 : i32
      %dma_wait3A_281 = arith.constant 0 : i32
      %dma_wait3A_282 = tpu.memref_slice %arg2[%dma_wait3A_280, %dma_wait3A_281] : memref<100000x128xf32, #tpu.memory_space<hbm>> -> memref<256x128xf32, #tpu.memory_space<hbm>>
      %dma_wait3A_283 = arith.constant 0 : i32
      %dma_wait3A_284 = arith.constant 0 : i32
      %dma_wait3A_285 = tpu.memref_slice %arg2[%dma_wait3A_283, %dma_wait3A_284] : memref<100000x128xf32, #tpu.memory_space<hbm>> -> memref<256x128xf32, #tpu.memory_space<hbm>>
      tpu.wait_dma2 semaphore(%arg12 : memref<!tpu.dma_semaphore, #tpu.memory_space<semaphore_mem>>) src(%dma_wait3A_285 : memref<256x128xf32, #tpu.memory_space<hbm>>) dst(%arg7 : memref<256x128xf32, #tpu.memory_space<vmem>>)
      %add3A_286 = arith.constant 1 : i32
      %add3A_287 = arith.addi %add3A_216, %add3A_286 : i32
      %mul3A_288 = arith.constant 2 : i32
      %mul3A_289 = arith.muli %mul3A_288, %add3A_287 : i32
      %add3A_290 = arith.constant 0 : i32
      %add3A_291 = arith.addi %mul3A_289, %add3A_290 : i32
      %dma_start3A_292 = arith.constant 0 : i32
      %dma_start3A_293 = arith.constant 0 : i32
      %dma_start3A_294 = tpu.memref_slice %arg7[%dma_start3A_292, %dma_start3A_293] : memref<256x128xf32, #tpu.memory_space<vmem>> -> memref<128x128xf32, #tpu.memory_space<vmem>>
      %dma_start3A_295 = arith.constant 0 : i32
      %dma_start3A_296 = tpu.memref_slice %arg5[%add3A_291, %dma_start3A_295] : memref<18x128xi32, #tpu.memory_space<vmem>> -> memref<1x128xi32, #tpu.memory_space<vmem>>
      %dma_start3A_297 = tpu.memref_squeeze %dma_start3A_296 : memref<1x128xi32, #tpu.memory_space<vmem>> -> memref<128xi32, #tpu.memory_space<vmem>>
      %dma_start3A_298 = arith.constant 0 : i32
      %dma_start3A_299 = arith.constant 0 : i32
      %dma_start3A_300 = tpu.memref_slice %arg11[%dma_start3A_298, %dma_start3A_299] : memref<1032x128xf32, #tpu.memory_space<vmem_shared>> -> memref<1032x128xf32, #tpu.memory_space<vmem_shared>>
      tpu.enqueue_indirect_dma source(%dma_start3A_294 : memref<128x128xf32, #tpu.memory_space<vmem>>) target(%dma_start3A_300 : memref<1032x128xf32, #tpu.memory_space<vmem_shared>>) offsets(%dma_start3A_297 : memref<128xi32, #tpu.memory_space<vmem>>) semaphore(%arg16 : memref<!tpu.dma_semaphore, #tpu.memory_space<semaphore_mem>>) {add = true}
      %mul3A_301 = arith.constant 2 : i32
      %mul3A_302 = arith.muli %mul3A_301, %add3A_287 : i32
      %add3A_303 = arith.constant 1 : i32
      %add3A_304 = arith.addi %mul3A_302, %add3A_303 : i32
      %dma_start3A_305 = arith.constant 128 : i32
      %dma_start3A_306 = arith.constant 0 : i32
      %dma_start3A_307 = tpu.memref_slice %arg7[%dma_start3A_305, %dma_start3A_306] : memref<256x128xf32, #tpu.memory_space<vmem>> -> memref<128x128xf32, #tpu.memory_space<vmem>>
      %dma_start3A_308 = arith.constant 0 : i32
      %dma_start3A_309 = tpu.memref_slice %arg5[%add3A_304, %dma_start3A_308] : memref<18x128xi32, #tpu.memory_space<vmem>> -> memref<1x128xi32, #tpu.memory_space<vmem>>
      %dma_start3A_310 = tpu.memref_squeeze %dma_start3A_309 : memref<1x128xi32, #tpu.memory_space<vmem>> -> memref<128xi32, #tpu.memory_space<vmem>>
      %dma_start3A_311 = arith.constant 0 : i32
      %dma_start3A_312 = arith.constant 0 : i32
      %dma_start3A_313 = tpu.memref_slice %arg11[%dma_start3A_311, %dma_start3A_312] : memref<1032x128xf32, #tpu.memory_space<vmem_shared>> -> memref<1032x128xf32, #tpu.memory_space<vmem_shared>>
      tpu.enqueue_indirect_dma source(%dma_start3A_307 : memref<128x128xf32, #tpu.memory_space<vmem>>) target(%dma_start3A_313 : memref<1032x128xf32, #tpu.memory_space<vmem_shared>>) offsets(%dma_start3A_310 : memref<128xi32, #tpu.memory_space<vmem>>) semaphore(%arg16 : memref<!tpu.dma_semaphore, #tpu.memory_space<semaphore_mem>>) {add = true}
      %dma_wait3A_314 = arith.constant 0 : i32
      %dma_wait3A_315 = arith.constant 0 : i32
      %dma_wait3A_316 = arith.constant 0 : i32
      %dma_wait3A_317 = tpu.memref_slice %arg8[%dma_wait3A_315, %dma_wait3A_316] : memref<256x128xf32, #tpu.memory_space<vmem>> -> memref<128x128xf32, #tpu.memory_space<vmem>>
      %dma_wait3A_318 = arith.constant 0 : i32
      %dma_wait3A_319 = tpu.memref_slice %arg5[%dma_wait3A_314, %dma_wait3A_318] : memref<18x128xi32, #tpu.memory_space<vmem>> -> memref<1x128xi32, #tpu.memory_space<vmem>>
      %dma_wait3A_320 = tpu.memref_squeeze %dma_wait3A_319 : memref<1x128xi32, #tpu.memory_space<vmem>> -> memref<128xi32, #tpu.memory_space<vmem>>
      %dma_wait3A_321 = arith.constant 0 : i32
      %dma_wait3A_322 = arith.constant 0 : i32
      %dma_wait3A_323 = tpu.memref_slice %arg11[%dma_wait3A_321, %dma_wait3A_322] : memref<1032x128xf32, #tpu.memory_space<vmem_shared>> -> memref<1032x128xf32, #tpu.memory_space<vmem_shared>>
      tpu.wait_indirect_dma semaphore(%arg17 : memref<!tpu.dma_semaphore, #tpu.memory_space<semaphore_mem>>) src(%dma_wait3A_317 : memref<128x128xf32, #tpu.memory_space<vmem>>) dst(%dma_wait3A_323 : memref<1032x128xf32, #tpu.memory_space<vmem_shared>>)
      %dma_wait3A_324 = arith.constant 0 : i32
      %dma_wait3A_325 = arith.constant 128 : i32
      %dma_wait3A_326 = arith.constant 0 : i32
      %dma_wait3A_327 = tpu.memref_slice %arg8[%dma_wait3A_325, %dma_wait3A_326] : memref<256x128xf32, #tpu.memory_space<vmem>> -> memref<128x128xf32, #tpu.memory_space<vmem>>
      %dma_wait3A_328 = arith.constant 0 : i32
      %dma_wait3A_329 = tpu.memref_slice %arg5[%dma_wait3A_324, %dma_wait3A_328] : memref<18x128xi32, #tpu.memory_space<vmem>> -> memref<1x128xi32, #tpu.memory_space<vmem>>
      %dma_wait3A_330 = tpu.memref_squeeze %dma_wait3A_329 : memref<1x128xi32, #tpu.memory_space<vmem>> -> memref<128xi32, #tpu.memory_space<vmem>>
      %dma_wait3A_331 = arith.constant 0 : i32
      %dma_wait3A_332 = arith.constant 0 : i32
      %dma_wait3A_333 = tpu.memref_slice %arg11[%dma_wait3A_331, %dma_wait3A_332] : memref<1032x128xf32, #tpu.memory_space<vmem_shared>> -> memref<1032x128xf32, #tpu.memory_space<vmem_shared>>
      tpu.wait_indirect_dma semaphore(%arg17 : memref<!tpu.dma_semaphore, #tpu.memory_space<semaphore_mem>>) src(%dma_wait3A_327 : memref<128x128xf32, #tpu.memory_space<vmem>>) dst(%dma_wait3A_333 : memref<1032x128xf32, #tpu.memory_space<vmem_shared>>)
      %add3A_334 = arith.constant 2 : i32
      %add3A_335 = arith.addi %add3A_216, %add3A_334 : i32
      %mul3A_336 = arith.constant 2 : i32
      %mul3A_337 = arith.muli %mul3A_336, %add3A_335 : i32
      %add3A_338 = arith.addi %add3A_4, %mul3A_337 : i32
      %mul3A_339 = arith.constant 128 : i32
      %mul3A_340 = arith.muli %add3A_338, %mul3A_339 : i32
      %dma_start3A_341 = arith.constant 0 : i32
      %dma_start3A_342 = tpu.memref_slice %arg2[%mul3A_340, %dma_start3A_341] : memref<100000x128xf32, #tpu.memory_space<hbm>> -> memref<256x128xf32, #tpu.memory_space<hbm>>
      %dma_start3A_343 = arith.constant 0 : i32
      %dma_start3A_344 = tpu.memref_slice %arg2[%mul3A_340, %dma_start3A_343] : memref<100000x128xf32, #tpu.memory_space<hbm>> -> memref<256x128xf32, #tpu.memory_space<hbm>>
      tpu.enqueue_dma source(%dma_start3A_344 : memref<256x128xf32, #tpu.memory_space<hbm>>) target(%arg8 : memref<256x128xf32, #tpu.memory_space<vmem>>) target_semaphore(%arg13 : memref<!tpu.dma_semaphore, #tpu.memory_space<semaphore_mem>>)
      %scan3A_345 = arith.constant 0 : i32
      scf.yield %scan3A_345 : i32
    }
    %scan3A_126 = arith.constant 3 : i32
    %dma_wait3A_127 = arith.constant 0 : i32
    %dma_wait3A_128 = arith.constant 0 : i32
    %dma_wait3A_129 = tpu.memref_slice %arg2[%dma_wait3A_127, %dma_wait3A_128] : memref<100000x128xf32, #tpu.memory_space<hbm>> -> memref<256x128xf32, #tpu.memory_space<hbm>>
    %dma_wait3A_130 = arith.constant 0 : i32
    %dma_wait3A_131 = arith.constant 0 : i32
    %dma_wait3A_132 = tpu.memref_slice %arg2[%dma_wait3A_130, %dma_wait3A_131] : memref<100000x128xf32, #tpu.memory_space<hbm>> -> memref<256x128xf32, #tpu.memory_space<hbm>>
    tpu.wait_dma2 semaphore(%arg13 : memref<!tpu.dma_semaphore, #tpu.memory_space<semaphore_mem>>) src(%dma_wait3A_132 : memref<256x128xf32, #tpu.memory_space<hbm>>) dst(%arg8 : memref<256x128xf32, #tpu.memory_space<vmem>>)
    %dma_start3A_133 = arith.constant 14 : i32
    %dma_start3A_134 = arith.constant 0 : i32
    %dma_start3A_135 = arith.constant 0 : i32
    %dma_start3A_136 = tpu.memref_slice %arg8[%dma_start3A_134, %dma_start3A_135] : memref<256x128xf32, #tpu.memory_space<vmem>> -> memref<128x128xf32, #tpu.memory_space<vmem>>
    %dma_start3A_137 = arith.constant 0 : i32
    %dma_start3A_138 = tpu.memref_slice %arg5[%dma_start3A_133, %dma_start3A_137] : memref<18x128xi32, #tpu.memory_space<vmem>> -> memref<1x128xi32, #tpu.memory_space<vmem>>
    %dma_start3A_139 = tpu.memref_squeeze %dma_start3A_138 : memref<1x128xi32, #tpu.memory_space<vmem>> -> memref<128xi32, #tpu.memory_space<vmem>>
    %dma_start3A_140 = arith.constant 0 : i32
    %dma_start3A_141 = arith.constant 0 : i32
    %dma_start3A_142 = tpu.memref_slice %arg11[%dma_start3A_140, %dma_start3A_141] : memref<1032x128xf32, #tpu.memory_space<vmem_shared>> -> memref<1032x128xf32, #tpu.memory_space<vmem_shared>>
    tpu.enqueue_indirect_dma source(%dma_start3A_136 : memref<128x128xf32, #tpu.memory_space<vmem>>) target(%dma_start3A_142 : memref<1032x128xf32, #tpu.memory_space<vmem_shared>>) offsets(%dma_start3A_139 : memref<128xi32, #tpu.memory_space<vmem>>) semaphore(%arg17 : memref<!tpu.dma_semaphore, #tpu.memory_space<semaphore_mem>>) {add = true}
    %dma_start3A_143 = arith.constant 15 : i32
    %dma_start3A_144 = arith.constant 128 : i32
    %dma_start3A_145 = arith.constant 0 : i32
    %dma_start3A_146 = tpu.memref_slice %arg8[%dma_start3A_144, %dma_start3A_145] : memref<256x128xf32, #tpu.memory_space<vmem>> -> memref<128x128xf32, #tpu.memory_space<vmem>>
    %dma_start3A_147 = arith.constant 0 : i32
    %dma_start3A_148 = tpu.memref_slice %arg5[%dma_start3A_143, %dma_start3A_147] : memref<18x128xi32, #tpu.memory_space<vmem>> -> memref<1x128xi32, #tpu.memory_space<vmem>>
    %dma_start3A_149 = tpu.memref_squeeze %dma_start3A_148 : memref<1x128xi32, #tpu.memory_space<vmem>> -> memref<128xi32, #tpu.memory_space<vmem>>
    %dma_start3A_150 = arith.constant 0 : i32
    %dma_start3A_151 = arith.constant 0 : i32
    %dma_start3A_152 = tpu.memref_slice %arg11[%dma_start3A_150, %dma_start3A_151] : memref<1032x128xf32, #tpu.memory_space<vmem_shared>> -> memref<1032x128xf32, #tpu.memory_space<vmem_shared>>
    tpu.enqueue_indirect_dma source(%dma_start3A_146 : memref<128x128xf32, #tpu.memory_space<vmem>>) target(%dma_start3A_152 : memref<1032x128xf32, #tpu.memory_space<vmem_shared>>) offsets(%dma_start3A_149 : memref<128xi32, #tpu.memory_space<vmem>>) semaphore(%arg17 : memref<!tpu.dma_semaphore, #tpu.memory_space<semaphore_mem>>) {add = true}
    %dma_wait3A_153 = arith.constant 0 : i32
    %dma_wait3A_154 = arith.constant 0 : i32
    %dma_wait3A_155 = arith.constant 0 : i32
    %dma_wait3A_156 = tpu.memref_slice %arg7[%dma_wait3A_154, %dma_wait3A_155] : memref<256x128xf32, #tpu.memory_space<vmem>> -> memref<128x128xf32, #tpu.memory_space<vmem>>
    %dma_wait3A_157 = arith.constant 0 : i32
    %dma_wait3A_158 = tpu.memref_slice %arg5[%dma_wait3A_153, %dma_wait3A_157] : memref<18x128xi32, #tpu.memory_space<vmem>> -> memref<1x128xi32, #tpu.memory_space<vmem>>
    %dma_wait3A_159 = tpu.memref_squeeze %dma_wait3A_158 : memref<1x128xi32, #tpu.memory_space<vmem>> -> memref<128xi32, #tpu.memory_space<vmem>>
    %dma_wait3A_160 = arith.constant 0 : i32
    %dma_wait3A_161 = arith.constant 0 : i32
    %dma_wait3A_162 = tpu.memref_slice %arg11[%dma_wait3A_160, %dma_wait3A_161] : memref<1032x128xf32, #tpu.memory_space<vmem_shared>> -> memref<1032x128xf32, #tpu.memory_space<vmem_shared>>
    tpu.wait_indirect_dma semaphore(%arg16 : memref<!tpu.dma_semaphore, #tpu.memory_space<semaphore_mem>>) src(%dma_wait3A_156 : memref<128x128xf32, #tpu.memory_space<vmem>>) dst(%dma_wait3A_162 : memref<1032x128xf32, #tpu.memory_space<vmem_shared>>)
    %dma_wait3A_163 = arith.constant 0 : i32
    %dma_wait3A_164 = arith.constant 128 : i32
    %dma_wait3A_165 = arith.constant 0 : i32
    %dma_wait3A_166 = tpu.memref_slice %arg7[%dma_wait3A_164, %dma_wait3A_165] : memref<256x128xf32, #tpu.memory_space<vmem>> -> memref<128x128xf32, #tpu.memory_space<vmem>>
    %dma_wait3A_167 = arith.constant 0 : i32
    %dma_wait3A_168 = tpu.memref_slice %arg5[%dma_wait3A_163, %dma_wait3A_167] : memref<18x128xi32, #tpu.memory_space<vmem>> -> memref<1x128xi32, #tpu.memory_space<vmem>>
    %dma_wait3A_169 = tpu.memref_squeeze %dma_wait3A_168 : memref<1x128xi32, #tpu.memory_space<vmem>> -> memref<128xi32, #tpu.memory_space<vmem>>
    %dma_wait3A_170 = arith.constant 0 : i32
    %dma_wait3A_171 = arith.constant 0 : i32
    %dma_wait3A_172 = tpu.memref_slice %arg11[%dma_wait3A_170, %dma_wait3A_171] : memref<1032x128xf32, #tpu.memory_space<vmem_shared>> -> memref<1032x128xf32, #tpu.memory_space<vmem_shared>>
    tpu.wait_indirect_dma semaphore(%arg16 : memref<!tpu.dma_semaphore, #tpu.memory_space<semaphore_mem>>) src(%dma_wait3A_166 : memref<128x128xf32, #tpu.memory_space<vmem>>) dst(%dma_wait3A_172 : memref<1032x128xf32, #tpu.memory_space<vmem_shared>>)
    %dma_wait3A_173 = arith.constant 0 : i32
    %dma_wait3A_174 = arith.constant 0 : i32
    %dma_wait3A_175 = arith.constant 0 : i32
    %dma_wait3A_176 = tpu.memref_slice %arg8[%dma_wait3A_174, %dma_wait3A_175] : memref<256x128xf32, #tpu.memory_space<vmem>> -> memref<128x128xf32, #tpu.memory_space<vmem>>
    %dma_wait3A_177 = arith.constant 0 : i32
    %dma_wait3A_178 = tpu.memref_slice %arg5[%dma_wait3A_173, %dma_wait3A_177] : memref<18x128xi32, #tpu.memory_space<vmem>> -> memref<1x128xi32, #tpu.memory_space<vmem>>
    %dma_wait3A_179 = tpu.memref_squeeze %dma_wait3A_178 : memref<1x128xi32, #tpu.memory_space<vmem>> -> memref<128xi32, #tpu.memory_space<vmem>>
    %dma_wait3A_180 = arith.constant 0 : i32
    %dma_wait3A_181 = arith.constant 0 : i32
    %dma_wait3A_182 = tpu.memref_slice %arg11[%dma_wait3A_180, %dma_wait3A_181] : memref<1032x128xf32, #tpu.memory_space<vmem_shared>> -> memref<1032x128xf32, #tpu.memory_space<vmem_shared>>
    tpu.wait_indirect_dma semaphore(%arg17 : memref<!tpu.dma_semaphore, #tpu.memory_space<semaphore_mem>>) src(%dma_wait3A_176 : memref<128x128xf32, #tpu.memory_space<vmem>>) dst(%dma_wait3A_182 : memref<1032x128xf32, #tpu.memory_space<vmem_shared>>)
    %dma_wait3A_183 = arith.constant 0 : i32
    %dma_wait3A_184 = arith.constant 128 : i32
    %dma_wait3A_185 = arith.constant 0 : i32
    %dma_wait3A_186 = tpu.memref_slice %arg8[%dma_wait3A_184, %dma_wait3A_185] : memref<256x128xf32, #tpu.memory_space<vmem>> -> memref<128x128xf32, #tpu.memory_space<vmem>>
    %dma_wait3A_187 = arith.constant 0 : i32
    %dma_wait3A_188 = tpu.memref_slice %arg5[%dma_wait3A_183, %dma_wait3A_187] : memref<18x128xi32, #tpu.memory_space<vmem>> -> memref<1x128xi32, #tpu.memory_space<vmem>>
    %dma_wait3A_189 = tpu.memref_squeeze %dma_wait3A_188 : memref<1x128xi32, #tpu.memory_space<vmem>> -> memref<128xi32, #tpu.memory_space<vmem>>
    %dma_wait3A_190 = arith.constant 0 : i32
    %dma_wait3A_191 = arith.constant 0 : i32
    %dma_wait3A_192 = tpu.memref_slice %arg11[%dma_wait3A_190, %dma_wait3A_191] : memref<1032x128xf32, #tpu.memory_space<vmem_shared>> -> memref<1032x128xf32, #tpu.memory_space<vmem_shared>>
    tpu.wait_indirect_dma semaphore(%arg17 : memref<!tpu.dma_semaphore, #tpu.memory_space<semaphore_mem>>) src(%dma_wait3A_186 : memref<128x128xf32, #tpu.memory_space<vmem>>) dst(%dma_wait3A_192 : memref<1032x128xf32, #tpu.memory_space<vmem_shared>>)
    %dma_wait3A_193 = arith.constant 0 : i32
    %dma_wait3A_194 = arith.constant 0 : i32
    %dma_wait3A_195 = tpu.memref_slice %arg2[%dma_wait3A_193, %dma_wait3A_194] : memref<100000x128xf32, #tpu.memory_space<hbm>> -> memref<128x128xf32, #tpu.memory_space<hbm>>
    %dma_wait3A_196 = arith.constant 0 : i32
    %dma_wait3A_197 = arith.constant 0 : i32
    %dma_wait3A_198 = tpu.memref_slice %arg2[%dma_wait3A_196, %dma_wait3A_197] : memref<100000x128xf32, #tpu.memory_space<hbm>> -> memref<128x128xf32, #tpu.memory_space<hbm>>
    tpu.wait_dma2 semaphore(%arg14 : memref<!tpu.dma_semaphore, #tpu.memory_space<semaphore_mem>>) src(%dma_wait3A_198 : memref<128x128xf32, #tpu.memory_space<hbm>>) dst(%arg9 : memref<128x128xf32, #tpu.memory_space<vmem>>)
    %run_scoped3A = arith.constant 16 : i32
    "tpu.region"() ({
      %run_scoped3A_211 = tpu.sem_alloc : memref<!tpu.dma_semaphore, #tpu.memory_space<semaphore_mem>>
      %dma_start3A_212 = arith.constant 0 : i32
      %dma_start3A_213 = tpu.memref_slice %arg5[%run_scoped3A, %dma_start3A_212] : memref<18x128xi32, #tpu.memory_space<vmem>> -> memref<1x128xi32, #tpu.memory_space<vmem>>
      %dma_start3A_214 = tpu.memref_squeeze %dma_start3A_213 : memref<1x128xi32, #tpu.memory_space<vmem>> -> memref<128xi32, #tpu.memory_space<vmem>>
      %dma_start3A_215 = arith.constant 0 : i32
      %dma_start3A_216 = arith.constant 0 : i32
      %dma_start3A_217 = tpu.memref_slice %arg11[%dma_start3A_215, %dma_start3A_216] : memref<1032x128xf32, #tpu.memory_space<vmem_shared>> -> memref<1032x128xf32, #tpu.memory_space<vmem_shared>>
      tpu.enqueue_indirect_dma source(%arg9 : memref<128x128xf32, #tpu.memory_space<vmem>>) target(%dma_start3A_217 : memref<1032x128xf32, #tpu.memory_space<vmem_shared>>) offsets(%dma_start3A_214 : memref<128xi32, #tpu.memory_space<vmem>>) semaphore(%run_scoped3A_211 : memref<!tpu.dma_semaphore, #tpu.memory_space<semaphore_mem>>) {add = true}
      %dma_wait3A_218 = arith.constant 0 : i32
      %dma_wait3A_219 = tpu.memref_slice %arg5[%run_scoped3A, %dma_wait3A_218] : memref<18x128xi32, #tpu.memory_space<vmem>> -> memref<1x128xi32, #tpu.memory_space<vmem>>
      %dma_wait3A_220 = tpu.memref_squeeze %dma_wait3A_219 : memref<1x128xi32, #tpu.memory_space<vmem>> -> memref<128xi32, #tpu.memory_space<vmem>>
      %dma_wait3A_221 = arith.constant 0 : i32
      %dma_wait3A_222 = arith.constant 0 : i32
      %dma_wait3A_223 = tpu.memref_slice %arg11[%dma_wait3A_221, %dma_wait3A_222] : memref<1032x128xf32, #tpu.memory_space<vmem_shared>> -> memref<1032x128xf32, #tpu.memory_space<vmem_shared>>
      tpu.wait_indirect_dma semaphore(%run_scoped3A_211 : memref<!tpu.dma_semaphore, #tpu.memory_space<semaphore_mem>>) src(%arg9 : memref<128x128xf32, #tpu.memory_space<vmem>>) dst(%dma_wait3A_223 : memref<1032x128xf32, #tpu.memory_space<vmem_shared>>)
      tpu.yield
    }) : () -> ()
    %lt3A_199 = arith.constant 5 : i32
    %lt3A_200 = arith.cmpi slt, %add3A, %lt3A_199 : i32
    %convert_element_type3A_201 = arith.extui %lt3A_200 : i1 to i32
    %cond3A_202 = arith.constant 0 : i32
    %cond3A_203 = arith.cmpi ne, %convert_element_type3A_201, %cond3A_202 : i32
    scf.if %cond3A_203 {
      %add3A_211 = arith.constant 776 : i32
      %add3A_212 = arith.addi %add3A_211, %add3A : i32
      %mul3A_213 = arith.constant 128 : i32
      %mul3A_214 = arith.muli %add3A_212, %mul3A_213 : i32
      "tpu.region"() ({
        %run_scoped3A_216 = tpu.sem_alloc : memref<!tpu.dma_semaphore, #tpu.memory_space<semaphore_mem>>
        %dma_start3A_217 = arith.constant 0 : i32
        %dma_start3A_218 = tpu.memref_slice %arg2[%mul3A_214, %dma_start3A_217] : memref<100000x128xf32, #tpu.memory_space<hbm>> -> memref<128x128xf32, #tpu.memory_space<hbm>>
        %dma_start3A_219 = arith.constant 0 : i32
        %dma_start3A_220 = tpu.memref_slice %arg2[%mul3A_214, %dma_start3A_219] : memref<100000x128xf32, #tpu.memory_space<hbm>> -> memref<128x128xf32, #tpu.memory_space<hbm>>
        tpu.enqueue_dma source(%dma_start3A_220 : memref<128x128xf32, #tpu.memory_space<hbm>>) target(%arg9 : memref<128x128xf32, #tpu.memory_space<vmem>>) target_semaphore(%run_scoped3A_216 : memref<!tpu.dma_semaphore, #tpu.memory_space<semaphore_mem>>)
        %dma_wait3A_221 = arith.constant 0 : i32
        %dma_wait3A_222 = tpu.memref_slice %arg2[%mul3A_214, %dma_wait3A_221] : memref<100000x128xf32, #tpu.memory_space<hbm>> -> memref<128x128xf32, #tpu.memory_space<hbm>>
        %dma_wait3A_223 = arith.constant 0 : i32
        %dma_wait3A_224 = tpu.memref_slice %arg2[%mul3A_214, %dma_wait3A_223] : memref<100000x128xf32, #tpu.memory_space<hbm>> -> memref<128x128xf32, #tpu.memory_space<hbm>>
        tpu.wait_dma2 semaphore(%run_scoped3A_216 : memref<!tpu.dma_semaphore, #tpu.memory_space<semaphore_mem>>) src(%dma_wait3A_224 : memref<128x128xf32, #tpu.memory_space<hbm>>) dst(%arg9 : memref<128x128xf32, #tpu.memory_space<vmem>>)
        tpu.yield
      }) : () -> ()
      %run_scoped3A_215 = arith.constant 17 : i32
      "tpu.region"() ({
        %run_scoped3A_216 = tpu.sem_alloc : memref<!tpu.dma_semaphore, #tpu.memory_space<semaphore_mem>>
        %dma_start3A_217 = arith.constant 0 : i32
        %dma_start3A_218 = tpu.memref_slice %arg5[%run_scoped3A_215, %dma_start3A_217] : memref<18x128xi32, #tpu.memory_space<vmem>> -> memref<1x128xi32, #tpu.memory_space<vmem>>
        %dma_start3A_219 = tpu.memref_squeeze %dma_start3A_218 : memref<1x128xi32, #tpu.memory_space<vmem>> -> memref<128xi32, #tpu.memory_space<vmem>>
        %dma_start3A_220 = arith.constant 0 : i32
        %dma_start3A_221 = arith.constant 0 : i32
        %dma_start3A_222 = tpu.memref_slice %arg11[%dma_start3A_220, %dma_start3A_221] : memref<1032x128xf32, #tpu.memory_space<vmem_shared>> -> memref<1032x128xf32, #tpu.memory_space<vmem_shared>>
        tpu.enqueue_indirect_dma source(%arg9 : memref<128x128xf32, #tpu.memory_space<vmem>>) target(%dma_start3A_222 : memref<1032x128xf32, #tpu.memory_space<vmem_shared>>) offsets(%dma_start3A_219 : memref<128xi32, #tpu.memory_space<vmem>>) semaphore(%run_scoped3A_216 : memref<!tpu.dma_semaphore, #tpu.memory_space<semaphore_mem>>) {add = true}
        %dma_wait3A_223 = arith.constant 0 : i32
        %dma_wait3A_224 = tpu.memref_slice %arg5[%run_scoped3A_215, %dma_wait3A_223] : memref<18x128xi32, #tpu.memory_space<vmem>> -> memref<1x128xi32, #tpu.memory_space<vmem>>
        %dma_wait3A_225 = tpu.memref_squeeze %dma_wait3A_224 : memref<1x128xi32, #tpu.memory_space<vmem>> -> memref<128xi32, #tpu.memory_space<vmem>>
        %dma_wait3A_226 = arith.constant 0 : i32
        %dma_wait3A_227 = arith.constant 0 : i32
        %dma_wait3A_228 = tpu.memref_slice %arg11[%dma_wait3A_226, %dma_wait3A_227] : memref<1032x128xf32, #tpu.memory_space<vmem_shared>> -> memref<1032x128xf32, #tpu.memory_space<vmem_shared>>
        tpu.wait_indirect_dma semaphore(%run_scoped3A_216 : memref<!tpu.dma_semaphore, #tpu.memory_space<semaphore_mem>>) src(%arg9 : memref<128x128xf32, #tpu.memory_space<vmem>>) dst(%dma_wait3A_228 : memref<1032x128xf32, #tpu.memory_space<vmem_shared>>)
        tpu.yield
      }) : () -> ()
    } else {
    }
    %eq3A = arith.constant 31 : i32
    %eq3A_204 = arith.cmpi eq, %add3A, %eq3A : i32
    %convert_element_type3A_205 = arith.extui %eq3A_204 : i1 to i32
    %cond3A_206 = arith.constant 0 : i32
    %cond3A_207 = arith.cmpi ne, %convert_element_type3A_205, %cond3A_206 : i32
    scf.if %cond3A_207 {
      "tpu.region"() ({
        %run_scoped3A_245 = tpu.sem_alloc : memref<!tpu.dma_semaphore, #tpu.memory_space<semaphore_mem>>
        %dma_start3A_246 = arith.constant 99872 : i32
        %dma_start3A_247 = tpu.memref_slice %arg3[%dma_start3A_246] : memref<100000xi32, #tpu.memory_space<hbm>> -> memref<128xi32, #tpu.memory_space<hbm>>
        %dma_start3A_248 = arith.constant 99872 : i32
        %dma_start3A_249 = tpu.memref_slice %arg3[%dma_start3A_248] : memref<100000xi32, #tpu.memory_space<hbm>> -> memref<128xi32, #tpu.memory_space<hbm>>
        tpu.enqueue_dma source(%dma_start3A_249 : memref<128xi32, #tpu.memory_space<hbm>>) target(%arg6 : memref<128xi32, #tpu.memory_space<vmem>>) target_semaphore(%run_scoped3A_245 : memref<!tpu.dma_semaphore, #tpu.memory_space<semaphore_mem>>)
        %dma_wait3A_250 = arith.constant 99872 : i32
        %dma_wait3A_251 = tpu.memref_slice %arg3[%dma_wait3A_250] : memref<100000xi32, #tpu.memory_space<hbm>> -> memref<128xi32, #tpu.memory_space<hbm>>
        %dma_wait3A_252 = arith.constant 99872 : i32
        %dma_wait3A_253 = tpu.memref_slice %arg3[%dma_wait3A_252] : memref<100000xi32, #tpu.memory_space<hbm>> -> memref<128xi32, #tpu.memory_space<hbm>>
        tpu.wait_dma2 semaphore(%run_scoped3A_245 : memref<!tpu.dma_semaphore, #tpu.memory_space<semaphore_mem>>) src(%dma_wait3A_253 : memref<128xi32, #tpu.memory_space<hbm>>) dst(%arg6 : memref<128xi32, #tpu.memory_space<vmem>>)
        tpu.yield
      }) : () -> ()
      %broadcast_in_dim3A = arith.constant 1024 : i32
      %broadcast_in_dim3A_211 = vector.broadcast %broadcast_in_dim3A : i32 to vector<16xi32>
      %swap3A = arith.constant 0 : index
      %swap3A_212 = tpu.vector_load %arg6[%swap3A] {strides = array<i32>} : memref<128xi32, #tpu.memory_space<vmem>>, vector<16xi32>,
      %swap3A_213 = vector.shape_cast %swap3A_212 : vector<16xi32> to vector<16xi32>
      %swap3A_214 = vector.shape_cast %broadcast_in_dim3A_211 : vector<16xi32> to vector<16xi32>
      tpu.vector_store %arg6[%swap3A], %swap3A_214 {strides = array<i32>} : memref<128xi32, #tpu.memory_space<vmem>>, vector<16xi32>,
      %broadcast_in_dim3A_215 = arith.constant 1024 : i32
      %broadcast_in_dim3A_216 = vector.broadcast %broadcast_in_dim3A_215 : i32 to vector<16xi32>
      %swap3A_217 = arith.constant 16 : index
      %swap3A_218 = tpu.vector_load %arg6[%swap3A_217] {strides = array<i32>} : memref<128xi32, #tpu.memory_space<vmem>>, vector<16xi32>,
      %swap3A_219 = vector.shape_cast %swap3A_218 : vector<16xi32> to vector<16xi32>
      %swap3A_220 = vector.shape_cast %broadcast_in_dim3A_216 : vector<16xi32> to vector<16xi32>
      tpu.vector_store %arg6[%swap3A_217], %swap3A_220 {strides = array<i32>} : memref<128xi32, #tpu.memory_space<vmem>>, vector<16xi32>,
      %broadcast_in_dim3A_221 = arith.constant 1024 : i32
      %broadcast_in_dim3A_222 = vector.broadcast %broadcast_in_dim3A_221 : i32 to vector<16xi32>
      %swap3A_223 = arith.constant 32 : index
      %swap3A_224 = tpu.vector_load %arg6[%swap3A_223] {strides = array<i32>} : memref<128xi32, #tpu.memory_space<vmem>>, vector<16xi32>,
      %swap3A_225 = vector.shape_cast %swap3A_224 : vector<16xi32> to vector<16xi32>
      %swap3A_226 = vector.shape_cast %broadcast_in_dim3A_222 : vector<16xi32> to vector<16xi32>
      tpu.vector_store %arg6[%swap3A_223], %swap3A_226 {strides = array<i32>} : memref<128xi32, #tpu.memory_space<vmem>>, vector<16xi32>,
      %broadcast_in_dim3A_227 = arith.constant 1024 : i32
      %broadcast_in_dim3A_228 = vector.broadcast %broadcast_in_dim3A_227 : i32 to vector<16xi32>
      %swap3A_229 = arith.constant 48 : index
      %swap3A_230 = tpu.vector_load %arg6[%swap3A_229] {strides = array<i32>} : memref<128xi32, #tpu.memory_space<vmem>>, vector<16xi32>,
      %swap3A_231 = vector.shape_cast %swap3A_230 : vector<16xi32> to vector<16xi32>
      %swap3A_232 = vector.shape_cast %broadcast_in_dim3A_228 : vector<16xi32> to vector<16xi32>
      tpu.vector_store %arg6[%swap3A_229], %swap3A_232 {strides = array<i32>} : memref<128xi32, #tpu.memory_space<vmem>>, vector<16xi32>,
      %broadcast_in_dim3A_233 = arith.constant 1024 : i32
      %broadcast_in_dim3A_234 = vector.broadcast %broadcast_in_dim3A_233 : i32 to vector<16xi32>
      %swap3A_235 = arith.constant 64 : index
      %swap3A_236 = tpu.vector_load %arg6[%swap3A_235] {strides = array<i32>} : memref<128xi32, #tpu.memory_space<vmem>>, vector<16xi32>,
      %swap3A_237 = vector.shape_cast %swap3A_236 : vector<16xi32> to vector<16xi32>
      %swap3A_238 = vector.shape_cast %broadcast_in_dim3A_234 : vector<16xi32> to vector<16xi32>
      tpu.vector_store %arg6[%swap3A_235], %swap3A_238 {strides = array<i32>} : memref<128xi32, #tpu.memory_space<vmem>>, vector<16xi32>,
      %broadcast_in_dim3A_239 = arith.constant 1024 : i32
      %broadcast_in_dim3A_240 = vector.broadcast %broadcast_in_dim3A_239 : i32 to vector<16xi32>
      %swap3A_241 = arith.constant 80 : index
      %swap3A_242 = tpu.vector_load %arg6[%swap3A_241] {strides = array<i32>} : memref<128xi32, #tpu.memory_space<vmem>>, vector<16xi32>,
      %swap3A_243 = vector.shape_cast %swap3A_242 : vector<16xi32> to vector<16xi32>
      %swap3A_244 = vector.shape_cast %broadcast_in_dim3A_240 : vector<16xi32> to vector<16xi32>
      tpu.vector_store %arg6[%swap3A_241], %swap3A_244 {strides = array<i32>} : memref<128xi32, #tpu.memory_space<vmem>>, vector<16xi32>,
      "tpu.region"() ({
        %run_scoped3A_245 = tpu.sem_alloc : memref<!tpu.dma_semaphore, #tpu.memory_space<semaphore_mem>>
        %dma_start3A_246 = arith.constant 0 : i32
        %dma_start3A_247 = arith.constant 0 : i32
        %dma_start3A_248 = tpu.memref_slice %arg7[%dma_start3A_246, %dma_start3A_247] : memref<256x128xf32, #tpu.memory_space<vmem>> -> memref<128x128xf32, #tpu.memory_space<vmem>>
        %dma_start3A_249 = arith.constant 99872 : i32
        %dma_start3A_250 = arith.constant 0 : i32
        %dma_start3A_251 = tpu.memref_slice %arg2[%dma_start3A_249, %dma_start3A_250] : memref<100000x128xf32, #tpu.memory_space<hbm>> -> memref<128x128xf32, #tpu.memory_space<hbm>>
        %dma_start3A_252 = arith.constant 0 : i32
        %dma_start3A_253 = arith.constant 0 : i32
        %dma_start3A_254 = tpu.memref_slice %arg7[%dma_start3A_252, %dma_start3A_253] : memref<256x128xf32, #tpu.memory_space<vmem>> -> memref<128x128xf32, #tpu.memory_space<vmem>>
        %dma_start3A_255 = arith.constant 99872 : i32
        %dma_start3A_256 = arith.constant 0 : i32
        %dma_start3A_257 = tpu.memref_slice %arg2[%dma_start3A_255, %dma_start3A_256] : memref<100000x128xf32, #tpu.memory_space<hbm>> -> memref<128x128xf32, #tpu.memory_space<hbm>>
        tpu.enqueue_dma source(%dma_start3A_257 : memref<128x128xf32, #tpu.memory_space<hbm>>) target(%dma_start3A_254 : memref<128x128xf32, #tpu.memory_space<vmem>>) target_semaphore(%run_scoped3A_245 : memref<!tpu.dma_semaphore, #tpu.memory_space<semaphore_mem>>)
        %dma_wait3A_258 = arith.constant 0 : i32
        %dma_wait3A_259 = arith.constant 0 : i32
        %dma_wait3A_260 = tpu.memref_slice %arg7[%dma_wait3A_258, %dma_wait3A_259] : memref<256x128xf32, #tpu.memory_space<vmem>> -> memref<128x128xf32, #tpu.memory_space<vmem>>
        %dma_wait3A_261 = arith.constant 99872 : i32
        %dma_wait3A_262 = arith.constant 0 : i32
        %dma_wait3A_263 = tpu.memref_slice %arg2[%dma_wait3A_261, %dma_wait3A_262] : memref<100000x128xf32, #tpu.memory_space<hbm>> -> memref<128x128xf32, #tpu.memory_space<hbm>>
        %dma_wait3A_264 = arith.constant 0 : i32
        %dma_wait3A_265 = arith.constant 0 : i32
        %dma_wait3A_266 = tpu.memref_slice %arg7[%dma_wait3A_264, %dma_wait3A_265] : memref<256x128xf32, #tpu.memory_space<vmem>> -> memref<128x128xf32, #tpu.memory_space<vmem>>
        %dma_wait3A_267 = arith.constant 99872 : i32
        %dma_wait3A_268 = arith.constant 0 : i32
        %dma_wait3A_269 = tpu.memref_slice %arg2[%dma_wait3A_267, %dma_wait3A_268] : memref<100000x128xf32, #tpu.memory_space<hbm>> -> memref<128x128xf32, #tpu.memory_space<hbm>>
        tpu.wait_dma2 semaphore(%run_scoped3A_245 : memref<!tpu.dma_semaphore, #tpu.memory_space<semaphore_mem>>) src(%dma_wait3A_269 : memref<128x128xf32, #tpu.memory_space<hbm>>) dst(%dma_wait3A_266 : memref<128x128xf32, #tpu.memory_space<vmem>>)
        tpu.yield
      }) : () -> ()
      "tpu.region"() ({
        %run_scoped3A_245 = tpu.sem_alloc : memref<!tpu.dma_semaphore, #tpu.memory_space<semaphore_mem>>
        %dma_start3A_246 = arith.constant 0 : i32
        %dma_start3A_247 = arith.constant 0 : i32
        %dma_start3A_248 = tpu.memref_slice %arg7[%dma_start3A_246, %dma_start3A_247] : memref<256x128xf32, #tpu.memory_space<vmem>> -> memref<128x128xf32, #tpu.memory_space<vmem>>
        %dma_start3A_249 = arith.constant 0 : i32
        %dma_start3A_250 = arith.constant 0 : i32
        %dma_start3A_251 = tpu.memref_slice %arg11[%dma_start3A_249, %dma_start3A_250] : memref<1032x128xf32, #tpu.memory_space<vmem_shared>> -> memref<1032x128xf32, #tpu.memory_space<vmem_shared>>
        tpu.enqueue_indirect_dma source(%dma_start3A_248 : memref<128x128xf32, #tpu.memory_space<vmem>>) target(%dma_start3A_251 : memref<1032x128xf32, #tpu.memory_space<vmem_shared>>) offsets(%arg6 : memref<128xi32, #tpu.memory_space<vmem>>) semaphore(%run_scoped3A_245 : memref<!tpu.dma_semaphore, #tpu.memory_space<semaphore_mem>>) {add = true}
        %dma_wait3A_252 = arith.constant 0 : i32
        %dma_wait3A_253 = arith.constant 0 : i32
        %dma_wait3A_254 = tpu.memref_slice %arg7[%dma_wait3A_252, %dma_wait3A_253] : memref<256x128xf32, #tpu.memory_space<vmem>> -> memref<128x128xf32, #tpu.memory_space<vmem>>
        %dma_wait3A_255 = arith.constant 0 : i32
        %dma_wait3A_256 = arith.constant 0 : i32
        %dma_wait3A_257 = tpu.memref_slice %arg11[%dma_wait3A_255, %dma_wait3A_256] : memref<1032x128xf32, #tpu.memory_space<vmem_shared>> -> memref<1032x128xf32, #tpu.memory_space<vmem_shared>>
        tpu.wait_indirect_dma semaphore(%run_scoped3A_245 : memref<!tpu.dma_semaphore, #tpu.memory_space<semaphore_mem>>) src(%dma_wait3A_254 : memref<128x128xf32, #tpu.memory_space<vmem>>) dst(%dma_wait3A_257 : memref<1032x128xf32, #tpu.memory_space<vmem_shared>>)
        tpu.yield
      }) : () -> ()
    } else {
    }
    %barrier3A_208 = arith.constant 0 : index
    tpu.barrier barrier_id(%barrier3A_208)
    %mul3A_209 = arith.constant 64 : i32
    %mul3A_210 = arith.muli %arg1, %mul3A_209 : i32
    "tpu.region"() ({
      %run_scoped3A_211 = tpu.sem_alloc : memref<!tpu.dma_semaphore, #tpu.memory_space<semaphore_mem>>
      %dma_start3A_212 = arith.constant 0 : i32
      %dma_start3A_213 = tpu.memref_slice %arg4[%arg0, %mul3A_210, %dma_start3A_212] : memref<2x1024x128xf32, #tpu.memory_space<hbm>> -> memref<1x64x128xf32, #tpu.memory_space<hbm>>
      %dma_start3A_214 = tpu.memref_squeeze %dma_start3A_213 : memref<1x64x128xf32, #tpu.memory_space<hbm>> -> memref<64x128xf32, #tpu.memory_space<hbm>>
      %dma_start3A_215 = arith.constant 0 : i32
      %dma_start3A_216 = tpu.memref_slice %arg11[%mul3A_210, %dma_start3A_215] : memref<1032x128xf32, #tpu.memory_space<vmem_shared>> -> memref<64x128xf32, #tpu.memory_space<vmem_shared>>
      tpu.enqueue_dma source(%dma_start3A_216 : memref<64x128xf32, #tpu.memory_space<vmem_shared>>) target(%dma_start3A_214 : memref<64x128xf32, #tpu.memory_space<hbm>>) target_semaphore(%run_scoped3A_211 : memref<!tpu.dma_semaphore, #tpu.memory_space<semaphore_mem>>)
      %dma_wait3A_217 = arith.constant 0 : i32
      %dma_wait3A_218 = tpu.memref_slice %arg4[%arg0, %mul3A_210, %dma_wait3A_217] : memref<2x1024x128xf32, #tpu.memory_space<hbm>> -> memref<1x64x128xf32, #tpu.memory_space<hbm>>
      %dma_wait3A_219 = tpu.memref_squeeze %dma_wait3A_218 : memref<1x64x128xf32, #tpu.memory_space<hbm>> -> memref<64x128xf32, #tpu.memory_space<hbm>>
      %dma_wait3A_220 = arith.constant 0 : i32
      %dma_wait3A_221 = tpu.memref_slice %arg11[%mul3A_210, %dma_wait3A_220] : memref<1032x128xf32, #tpu.memory_space<vmem_shared>> -> memref<64x128xf32, #tpu.memory_space<vmem_shared>>
      tpu.wait_dma2 semaphore(%run_scoped3A_211 : memref<!tpu.dma_semaphore, #tpu.memory_space<semaphore_mem>>) src(%dma_wait3A_221 : memref<64x128xf32, #tpu.memory_space<vmem_shared>>) dst(%dma_wait3A_219 : memref<64x128xf32, #tpu.memory_space<hbm>>)
      tpu.yield
    }) : () -> ()
    return
  }
}

module attributes {stable_mosaic.version = 14 : i64} {
  func.func @_tc_body(%arg0: i32, %arg1: memref<1x1x1024xi32, #tpu.memory_space<vmem>>, %arg2: memref<1024x128xf32, #tpu.memory_space<vmem>>, %arg3: memref<1024x128xf32, #tpu.memory_space<vmem>>) attributes {dimension_semantics = [#tpu.dimension_semantics<arbitrary>], iteration_bounds = array<i64: 29>, scalar_prefetch = 0 : i64, scratch_operands = 0 : i64, tpu.core_type = #tpu.core_type<tc>, window_params = [{transform_indices = @transform_0, window_bounds = array<i64: 1, 1, 1024>}, {transform_indices = @transform_1, window_bounds = array<i64: 1024, 128>}, {pipeline_mode = #tpu.pipeline_mode<synchronous>, transform_indices = @transform_2, window_bounds = array<i64: 1024, 128>}]} {
    %eq3A = arith.constant 0 : i32
    %eq3A_0 = arith.cmpi eq, %arg0, %eq3A : i32
    %convert_element_type3A = arith.extui %eq3A_0 : i1 to i32
    %cond3A = arith.constant 0 : i32
    %cond3A_1 = arith.cmpi ne, %convert_element_type3A, %cond3A : i32
    scf.if %cond3A_1 {
      %broadcast_in_dim3A = arith.constant 0.000000e+00 : f32
      %broadcast_in_dim3A_45 = vector.broadcast %broadcast_in_dim3A : f32 to vector<1024x128xf32>
      %swap3A = arith.constant 0 : index
      %swap3A_46 = arith.constant 0 : index
      %swap3A_47 = vector.load %arg3[%swap3A, %swap3A_46] : memref<1024x128xf32, #tpu.memory_space<vmem>>, vector<1024x128xf32>
      tpu.vector_store %arg3[%swap3A, %swap3A_46], %broadcast_in_dim3A_45 {strides = array<i32>} : memref<1024x128xf32, #tpu.memory_space<vmem>>, vector<1024x128xf32>,
    } else {
    }
    %get3A = arith.constant 0 : index
    %get3A_2 = arith.constant 0 : index
    %get3A_3 = arith.constant 0 : index
    %get3A_4 = vector.load %arg1[%get3A, %get3A_2, %get3A_3] : memref<1x1x1024xi32, #tpu.memory_space<vmem>>, vector<1x1x1024xi32>
    %get3A_5 = vector.shape_cast %get3A_4 : vector<1x1x1024xi32> to vector<1024xi32>
    %get3A_6 = arith.constant 0 : index
    %get3A_7 = arith.constant 0 : index
    %get3A_8 = vector.load %arg2[%get3A_6, %get3A_7] : memref<1024x128xf32, #tpu.memory_space<vmem>>, vector<1024x128xf32>
    %convert_element_type3A_9 = arith.truncf %get3A_8 : vector<1024x128xf32> to vector<1024x128xbf16>
    %reduce_min3A = vector.shape_cast %get3A_5 : vector<1024xi32> to vector<1x1024xi32>
    %reduce_min3A_10 = arith.constant dense<2147483647> : vector<1xi32>
    %reduce_min3A_11 = vector.multi_reduction <minsi>, %reduce_min3A, %reduce_min3A_10 [1] : vector<1x1024xi32> to vector<1xi32>
    %reduce_min3A_12 = vector.shape_cast %reduce_min3A_11 : vector<1xi32> to vector<1x1xi32>
    %reduce_min3A_13 = vector.extract %reduce_min3A_12[0, 0] : i32 from vector<1x1xi32>
    %reduce_max3A = vector.shape_cast %get3A_5 : vector<1024xi32> to vector<1x1024xi32>
    %reduce_max3A_14 = arith.constant dense<-2147483648> : vector<1xi32>
    %reduce_max3A_15 = vector.multi_reduction <maxsi>, %reduce_max3A, %reduce_max3A_14 [1] : vector<1x1024xi32> to vector<1xi32>
    %reduce_max3A_16 = vector.shape_cast %reduce_max3A_15 : vector<1xi32> to vector<1x1xi32>
    %reduce_max3A_17 = vector.extract %reduce_max3A_16[0, 0] : i32 from vector<1x1xi32>
    %jit3A = arith.constant 8 : i32
    %div3A = arith.divsi %reduce_min3A_13, %jit3A : i32
    %sign3A = arith.constant 0 : i32
    %sign3A_18 = arith.cmpi sgt, %reduce_min3A_13, %sign3A : i32
    %sign3A_19 = arith.extui %sign3A_18 : i1 to i32
    %sign3A_20 = arith.constant 0 : i32
    %sign3A_21 = arith.cmpi slt, %reduce_min3A_13, %sign3A_20 : i32
    %sign3A_22 = arith.extui %sign3A_21 : i1 to i32
    %sign3A_23 = arith.subi %sign3A_19, %sign3A_22 : i32
    %sign3A_24 = arith.constant 0 : i32
    %sign3A_25 = arith.cmpi sgt, %jit3A, %sign3A_24 : i32
    %sign3A_26 = arith.extui %sign3A_25 : i1 to i32
    %sign3A_27 = arith.constant 0 : i32
    %sign3A_28 = arith.cmpi slt, %jit3A, %sign3A_27 : i32
    %sign3A_29 = arith.extui %sign3A_28 : i1 to i32
    %sign3A_30 = arith.subi %sign3A_26, %sign3A_29 : i32
    %ne3A = arith.cmpi ne, %sign3A_23, %sign3A_30 : i32
    %rem3A = arith.remsi %reduce_min3A_13, %jit3A : i32
    %ne3A_31 = arith.constant 0 : i32
    %ne3A_32 = arith.cmpi ne, %rem3A, %ne3A_31 : i32
    %and3A = arith.andi %ne3A, %ne3A_32 : i1
    %sub3A = arith.constant 1 : i32
    %sub3A_33 = arith.subi %div3A, %sub3A : i32
    %select_n3A = arith.select %and3A, %sub3A_33, %div3A : i32
    %mul3A = arith.constant 8 : i32
    %mul3A_34 = arith.muli %select_n3A, %mul3A : i32
    %min3A = arith.constant 896 : i32
    %min3A_35 = arith.minsi %mul3A_34, %min3A : i32
    %multiple_of3A = tpu.assume_multiple %min3A_35, 8 : i32
    %sub3A_36 = arith.subi %reduce_max3A_17, %multiple_of3A : i32
    %lt3A = arith.constant 128 : i32
    %lt3A_37 = arith.cmpi slt, %sub3A_36, %lt3A : i32
    %convert_element_type3A_38 = arith.extui %lt3A_37 : i1 to i32
    %cond3A_39 = arith.constant 0 : i32
    %cond3A_40 = arith.cmpi ne, %convert_element_type3A_38, %cond3A_39 : i32
    scf.if %cond3A_40 {
      %iota3A = tpu.iota {dimensions = array<i32: 0>} : vector<128x1024xi32>
      %add3A = vector.broadcast %multiple_of3A : i32 to vector<128x1024xi32>
      %add3A_45 = arith.addi %iota3A, %add3A : vector<128x1024xi32>
      %broadcast_in_dim3A = vector.shape_cast %get3A_5 : vector<1024xi32> to vector<1x1024xi32>
      %eq3A_46 = vector.broadcast %broadcast_in_dim3A : vector<1x1024xi32> to vector<128x1024xi32>
      %eq3A_47 = arith.cmpi eq, %add3A_45, %eq3A_46 : vector<128x1024xi32>
      %convert_element_type3A_48 = arith.extui %eq3A_47 : vector<128x1024xi1> to vector<128x1024xi32>
      %convert_element_type3A_49 = arith.sitofp %convert_element_type3A_48 : vector<128x1024xi32> to vector<128x1024xf32>
      %convert_element_type3A_50 = arith.truncf %convert_element_type3A_49 : vector<128x1024xf32> to vector<128x1024xbf16>
      %dot_general3A = arith.constant dense<0.000000e+00> : vector<128x128xf32>
      %dot_general3A_51 = tpu.matmul %convert_element_type3A_50, %convert_element_type3A_9, %dot_general3A {dimension_numbers = #tpu.dot_dimension_numbers<[1], [0], [0], [1], [0, 0, 1, 1], [], []>, transpose_lhs_hint = false} : vector<128x1024xbf16>, vector<1024x128xbf16>, vector<128x128xf32> -> vector<128x128xf32>
      %get3A_52 = arith.index_cast %multiple_of3A : i32 to index
      %get3A_53 = arith.constant 0 : index
      %get3A_54 = vector.load %arg3[%get3A_52, %get3A_53] : memref<1024x128xf32, #tpu.memory_space<vmem>>, vector<128x128xf32>
      %add3A_55 = arith.addf %get3A_54, %dot_general3A_51 : vector<128x128xf32>
      %swap3A = arith.index_cast %multiple_of3A : i32 to index
      %swap3A_56 = arith.constant 0 : index
      %swap3A_57 = vector.load %arg3[%swap3A, %swap3A_56] : memref<1024x128xf32, #tpu.memory_space<vmem>>, vector<128x128xf32>
      tpu.vector_store %arg3[%swap3A, %swap3A_56], %add3A_55 {strides = array<i32>} : memref<1024x128xf32, #tpu.memory_space<vmem>>, vector<128x128xf32>,
    } else {
    }
    %not3A = arith.constant true
    %not3A_41 = arith.xori %lt3A_37, %not3A : i1
    %convert_element_type3A_42 = arith.extui %not3A_41 : i1 to i32
    %cond3A_43 = arith.constant 0 : i32
    %cond3A_44 = arith.cmpi ne, %convert_element_type3A_42, %cond3A_43 : i32
    scf.if %cond3A_44 {
      %iota3A = tpu.iota {dimensions = array<i32: 0>} : vector<1024x1024xi32>
      %broadcast_in_dim3A = vector.shape_cast %get3A_5 : vector<1024xi32> to vector<1x1024xi32>
      %eq3A_45 = vector.broadcast %broadcast_in_dim3A : vector<1x1024xi32> to vector<1024x1024xi32>
      %eq3A_46 = arith.cmpi eq, %iota3A, %eq3A_45 : vector<1024x1024xi32>
      %convert_element_type3A_47 = arith.extui %eq3A_46 : vector<1024x1024xi1> to vector<1024x1024xi32>
      %convert_element_type3A_48 = arith.sitofp %convert_element_type3A_47 : vector<1024x1024xi32> to vector<1024x1024xf32>
      %convert_element_type3A_49 = arith.truncf %convert_element_type3A_48 : vector<1024x1024xf32> to vector<1024x1024xbf16>
      %dot_general3A = arith.constant dense<0.000000e+00> : vector<1024x128xf32>
      %dot_general3A_50 = tpu.matmul %convert_element_type3A_49, %convert_element_type3A_9, %dot_general3A {dimension_numbers = #tpu.dot_dimension_numbers<[1], [0], [0], [1], [0, 0, 1, 1], [], []>, transpose_lhs_hint = false} : vector<1024x1024xbf16>, vector<1024x128xbf16>, vector<1024x128xf32> -> vector<1024x128xf32>
      %get3A_51 = arith.constant 0 : index
      %get3A_52 = arith.constant 0 : index
      %get3A_53 = vector.load %arg3[%get3A_51, %get3A_52] : memref<1024x128xf32, #tpu.memory_space<vmem>>, vector<1024x128xf32>
      %add3A = arith.addf %get3A_53, %dot_general3A_50 : vector<1024x128xf32>
      %swap3A = arith.constant 0 : index
      %swap3A_54 = arith.constant 0 : index
      %swap3A_55 = vector.load %arg3[%swap3A, %swap3A_54] : memref<1024x128xf32, #tpu.memory_space<vmem>>, vector<1024x128xf32>
      tpu.vector_store %arg3[%swap3A, %swap3A_54], %add3A {strides = array<i32>} : memref<1024x128xf32, #tpu.memory_space<vmem>>, vector<1024x128xf32>,
    } else {
    }
    return
  }
  func.func @transform_0(%arg0: i32) -> (i32, i32, i32) {
    %c0_i32 = arith.constant 0 : i32
    %c0_i32_0 = arith.constant 0 : i32
    %c0_i32_1 = arith.constant 0 : i32
    return %arg0, %c0_i32, %c0_i32_0 : i32, i32, i32
  }
  func.func @transform_1(%arg0: i32) -> (i32, i32) {
    %c0_i32 = arith.constant 0 : i32
    %c0_i32_0 = arith.constant 0 : i32
    return %arg0, %c0_i32 : i32, i32
  }
  func.func @transform_2(%arg0: i32) -> (i32, i32) {
    %c0_i32 = arith.constant 0 : i32
    %c0_i32_0 = arith.constant 0 : i32
    %c0_i32_1 = arith.constant 0 : i32
    return %c0_i32, %c0_i32_0 : i32, i32
  }
}

</mosaic_0001>

<sc_bundles>
// kernel: kernel.4.cloned.1.call-start
scs
__scs_entry_jumppad:
0x0: {  	(pc) =	sbr.rel $0x88, $3  }
0x1: {  	(tag) =	ssettag $0x0;
	lr =	simm.s32 $0x1  }
0x2: {  	[smem:$0x3F9F] =	sst lr;
	_ =	strace $0xD0000000  }
0x3: {  	_ = 	snop  }
0x4: {  	_ = 	snop  }
0x5: {  	_ = 	snop  }
0x6: {  	_ = 	snop  }
0x7: {  	_ = 	snop  }
__scs_overlays_trampoline_lowered:
0x8: {  	[smem:$0x3FAE] =	sst s0  }
0x9: {  	[smem:$0x3FAF] =	sst s1  }
0xa: {  	[smem:$0x3FB0] =	sst s2  }
0xb: {  	[smem:$0x3FB1] =	sst s3  }
0xc: {  	[smem:$0x3FB2] =	sst s4  }
0xd: {  	[smem:$0x3FB3] =	sst s5  }
0xe: {  	[smem:$0x3FB4] =	sst s6  }
0xf: {  	[smem:$0x3FB5] =	sst s7  }
0x10: {  	[smem:$0x3FB6] =	sst s8  }
0x11: {  	[smem:$0x3FB7] =	sst s9;
	s0 =	simm.s32 @!p0 $0x0  }
0x12: {  	s1 =	sld [smem:$0x3F9D];
	s0 =	simm.s32 @p0 $0x1  }
0x13: {  	[smem:$0x3FB8] =	sst s0;
	s0 =	simm.s32 @!p1 $0x0  }
0x14: {  	s2 =	sld [smem:$0x3F9C];
	s0 =	simm.s32 @p1 $0x1  }
0x15: {  	[smem:$0x3FB9] =	sst s0;
	s0 =	simm.s32 @!p2 $0x0  }
0x16: {  	s3 =	sld [smem:$0x3FDB];
	s0 =	simm.s32 @p2 $0x1  }
0x17: {  	s4 =	simm.s32 $0x1BF5;
	[smem:$0x3FBB] =	sst s0  }
0x18: {  	s0 =	sld [smem:$0x3F9E];
	_ =	swait.ge [sflag:s4], $0x0  }
0x19: {  	s7 =	sld [smem:$0x3F9F]  }
0x1a: {  	s8 =	sadd.s32 $0xFFFFE003, lr  }
0x1b: {  	s9 =	sadd.s32 $0xFFFFFEF7, lr;
	s5 =	simm.s32 $0xFFFFFFFF;
	p2 =	slt.u32 s8, $0xFFFFF086  }
0x1c: {  	p1 =	slt.u32 s9, $0xF7A;
	s5 =	simm.s32 @!p2 $0x0  }
0x1d: {  	s5 =	simm.s32 @p1 $0x1;
	p0 =	seq.s32 s7, s2  }
0x1e: {  	s7 =	smul.u32 @!p0 $0xF7A, s2;
	p2 =	seq.s32 @!p0 s5, $0x0  }
0x1f: {  	s9 =	smul.u32 $0xF7A, s1;
	s8 =	simm.s32 @!p0 $0x1BF5;
	p2 =	por !p2, p0  }
0x20: {  	[sflag:s8] =	ssyncset.s32 @!p0 $0xFFFFF086;
	s6 =	sadd.s32 @!p0 s3, s7;
	s7 =	simm.s32 @!p0 $0x108  }
0x21: {  	s3 =	sadd.s32 s3, s9;
	s6 =	sadd.s32 @!p0 $0x88, s6;
	s7 =	simm.s32 @p2 $0x1082  }
0x22: {  	[simem:s7], [sflag:s8] =	dma.local @!p0 [hbm:s6], $0xF7A  }
0x23: {  	s9 =	sor.u32 $0xD0000000, s2;
	s6 =	simm.s32 $0x108;
	_ =	swait.ge @!p0 [sflag:s8], $0x0  }
0x24: {  	s3 =	sadd.s32 $0x88, s3;
	s6 =	simm.s32 @!p1 $0x1082;
	[sflag:s4] =	ssyncset.s32 $0xFFFFF086  }
0x25: {  	[simem:s6], [sflag:s4] =	dma.local [hbm:s3], $0xF7A  }
0x26: {  	[smem:$0x3F9F] =	sst s1;
	(tag) =	ssettag s2;
	_ =	strace s9  }
0x27: {  	s1 =	sld [smem:$0x3FAF]  }
0x28: {  	s2 =	sld [smem:$0x3FB0]  }
0x29: {  	s4 =	sld [smem:$0x3FB2]  }
0x2a: {  	p0 =	seq.s32 s5, $0x0;
	s5 =	sld [smem:$0x3FB3]  }
0x2b: {  	s6 =	sld [smem:$0x3FB4]  }
0x2c: {  	s7 =	sld [smem:$0x3FB5]  }
0x2d: {  	s3 =	simm.s32 $0x108;
	s8 =	sld [smem:$0x3FB6]  }
0x2e: {  	s3 =	simm.s32 @!p0 $0x1082;
	s9 =	sld [smem:$0x3FB7]  }
0x2f: {  	lr =	sadd.s32 s0, s3;
	s0 =	sld [smem:$0x3FAE]  }
0x30: {  	s3 =	sld [smem:$0x3FB1]  }
0x31: {  	[smem:$0x3FBA] =	sst s10  }
0x32: {  	s10 =	sld [smem:$0x3FB8];
	_ =	sdelay $0x3  }
0x33: {  	p0 =	seq.s32 s10, $0x1;
	s10 =	sld [smem:$0x3FBA];
	_ =	sdelay $0x3  }
0x34: {  	[smem:$0x3FBA] =	sst s10  }
0x35: {  	s10 =	sld [smem:$0x3FB9];
	_ =	sdelay $0x3  }
0x36: {  	p1 =	seq.s32 s10, $0x1;
	s10 =	sld [smem:$0x3FBA];
	_ =	sdelay $0x3  }
0x37: {  	[smem:$0x3FBA] =	sst s10  }
0x38: {  	s10 =	sld [smem:$0x3FBB]  }
0x39: {  	_ = 	snop;
	(pc) =	sbr.ind lr, $3  }
0x3a: {  	_ = 	snop  }
0x3b: {  	_ = 	snop  }
0x3c: {  	p2 =	seq.s32 s10, $0x1;
	s10 =	sld [smem:$0x3FBA]  }
0x3d: {  	_ =	shalt  }
0x3e: {  	_ =	shalt  }
0x3f: {  	_ =	shalt  }
0x40: {  	_ =	shalt  }
0x41: {  	_ =	shalt  }
0x42: {  	_ =	shalt  }
0x43: {  	_ =	shalt  }
0x44: {  	_ =	shalt  }
0x45: {  	_ =	shalt  }
0x46: {  	_ =	shalt  }
0x47: {  	_ =	shalt  }
0x48: {  	_ =	shalt  }
0x49: {  	_ =	shalt  }
0x4a: {  	_ =	shalt  }
0x4b: {  	_ =	shalt  }
0x4c: {  	_ =	shalt  }
0x4d: {  	_ =	shalt  }
0x4e: {  	_ =	shalt  }
0x4f: {  	_ =	shalt  }
0x50: {  	_ =	shalt  }
0x51: {  	_ =	shalt  }
0x52: {  	_ =	shalt  }
0x53: {  	_ =	shalt  }
0x54: {  	_ =	shalt  }
0x55: {  	_ =	shalt  }
0x56: {  	_ =	shalt  }
0x57: {  	_ =	shalt  }
0x58: {  	_ =	shalt  }
0x59: {  	_ =	shalt  }
0x5a: {  	_ =	shalt  }
0x5b: {  	_ =	shalt  }
0x5c: {  	_ =	shalt  }
0x5d: {  	_ =	shalt  }
0x5e: {  	_ =	shalt  }
0x5f: {  	_ =	shalt  }
0x60: {  	_ =	shalt  }
0x61: {  	_ =	shalt  }
0x62: {  	_ =	shalt  }
0x63: {  	_ =	shalt  }
0x64: {  	_ =	shalt  }
0x65: {  	_ =	shalt  }
0x66: {  	_ =	shalt  }
0x67: {  	_ =	shalt  }
0x68: {  	_ =	shalt  }
0x69: {  	_ =	shalt  }
0x6a: {  	_ =	shalt  }
0x6b: {  	_ =	shalt  }
0x6c: {  	_ =	shalt  }
0x6d: {  	_ =	shalt  }
0x6e: {  	_ =	shalt  }
0x6f: {  	_ =	shalt  }
0x70: {  	_ =	shalt  }
0x71: {  	_ =	shalt  }
0x72: {  	_ =	shalt  }
0x73: {  	_ =	shalt  }
0x74: {  	_ =	shalt  }
0x75: {  	_ =	shalt  }
0x76: {  	_ =	shalt  }
0x77: {  	_ =	shalt  }
0x78: {  	_ =	shalt  }
0x79: {  	_ =	shalt  }
0x7a: {  	_ =	shalt  }
0x7b: {  	_ =	shalt  }
0x7c: {  	_ =	shalt  }
0x7d: {  	_ =	shalt  }
0x7e: {  	_ =	shalt  }
0x7f: {  	_ =	shalt  }
0x80: {  	_ =	shalt  }
0x81: {  	_ =	shalt  }
0x82: {  	_ =	shalt  }
0x83: {  	_ =	shalt  }
0x84: {  	_ =	shalt  }
0x85: {  	_ =	shalt  }
0x86: {  	_ =	shalt  }
0x87: {  	_ =	shalt  }
.Lfunc_end0:
.L_simem_size_0:
called_computation_lowered:
.L_overlay_start_0:
0x88: {  	s2 =	sld [smem:$0x3FD9]  }
0x89: {  	s3 =	sld [smem:$0x3FFE];
	_ =	sdelay $0x1  }
0x8a: {  	s1 =	srdreg.scid  }
0x8b: {  	s0 =	sand.u32 $0x1, s1  }
0x8c: {  	s17 =	sshll.u32 s0, $0xA;
	s2 =	sadd.s32 s3, s2  }
0x8d: {  	s2 =	sadd.s32 s2, s17  }
0x8e: {  	[smem:$0x3FC6] =	sst s2  }
0x8f: {  	_ = 	snop  }
0x90: {  	s2 =	sld [smem:$0x3FC9]  }
0x91: {  	s18 =	sld [smem:$0x3FC8];
	(tm) =	ssettm $0x1  }
0x92: {  	s4 =	sld [smem:$0x3FFB];
	_ =	sdelay $0x3  }
0x93: {  	_ =	strace s4  }
0x94: {  	s4 =	sld [smem:$0x3FFC];
	_ =	sdelay $0x3  }
0x95: {  	_ =	strace s4  }
0x96: {  	s4 =	sld [smem:$0x3FFD];
	_ =	sdelay $0x3  }
0x97: {  	_ =	strace s4  }
0x98: {  	_ =	strace $0x8FFFFFFF  }
0x99: {  	s19 =	sld [smem:$0x3FDB];
	_ =	sdelay $0x1  }
0x9a: {  	s5 =	simm.s32 $_scs_section_size  }
0x9b: {  	s6 =	simm.s32 $_size__tile_overlayer_lowered;
	s7 =	simm.s32 $_tile_overlayer_lowered  }
0x9c: {  	s22 =	simm.s32 $0x1BFF;
	s21 =	sshll.u32 s7, $0x1;
	s4 =	sadd.s32 s5, s19  }
0x9d: {  	s8 =	simm.s32 $0x0;
	s20 =	sshll.u32 s6, $0x1;
	s6 =	sadd.s32 s21, s4  }
0x9e: {  	[timem:s8], [sflag:s22] =	dma.local [hbm:s6], s20  }
0x9f: {  	_ =	swait.ge [sflag:s22], s20  }
0xa0: {  	s5 =	ssub.s32 $0x0, s20;
	[sflag:s22] =	ssyncset.done $0x0  }
0xa1: {  	[sflag:s22] =	ssyncadd.s32 s5;
	_ =	sdelay $0x1  }
0xa2: {  	s23 =	simm.s32 $0x1B8B  }
0xa3: {  	_ =	swait.ge [sflag:s23], $0x1  }
0xa4: {  	[sflag:s23] =	ssyncset.done $0x0  }
0xa5: {  	s25 =	simm.s32 $0x1B8E;
	s24 =	sld [smem:$0x3FFE];
	[sflag:s23] =	ssyncadd.s32 $0xFFFFFFFF  }
0xa6: {  	s26 =	simm.s32 $execute0_lowered;
	[smem:$0x3FD2] =	sst s25  }
0xa7: {  	s6 =	sshll.u32 s26, $0x1;
	_ =	strace $0x80000046;
	[dreg:$0x1] =	wrdreg $0xFFFFFFFF  }
0xa8: {  	s28 =	simm.s32 $_size_execute0_lowered;
	s4 =	sadd.s32 s4, s6;
	[dreg:$0x0] =	wrdreg $0x0  }
0xa9: {  	s6 =	sshll.u32 s28, $0x1;
	[dreg:$0x2] =	wrdreg s4  }
0xaa: {  	[dreg:$0x3] =	wrdreg s6  }
0xab: {  	[dreg:$0x4] =	wrdreg $0xC0  }
0xac: {  	_ =	task [dreg:s8], $0x5FFFF  }
0xad: {  	[dreg:$0x1] =	wrdreg $0xFFFFFFFF  }
0xae: {  	[dreg:$0x0] =	wrdreg $0x60  }
0xaf: {  	[dreg:$0x2] =	wrdreg s2  }
0xb0: {  	[dreg:$0x3] =	wrdreg s18  }
0xb1: {  	[dreg:$0x4] =	wrdreg s24  }
0xb2: {  	[dreg:$0x5] =	wrdreg $0x151800  }
0xb3: {  	[dreg:$0x6] =	wrdreg $0x9  }
0xb4: {  	_ =	task.clear_ibuf [dreg:s8], $0x7FFFF;
	_ =	strace $0x90000046  }
0xb5: {  	s29 =	simm.s32 $0x9;
	_ =	strace $0x80000048  }
0xb6: {  	_ =	swait.ge [sflag:s29], $0x1  }
0xb7: {  	[sflag:s29] =	ssyncadd.s32 $0xFFFFFFFF  }
0xb8: {  	_ =	strace $0x90000048  }
0xb9: {  	_ =	sfence  }
0xba: {  	s30 =	sld [smem:$0x0];
	_ =	sdelay $0x2  }
0xbb: {  	s31 =	sshll.u32 s1, $0xD;
	s1 =	sshrl.u32 s1, $0x2  }
0xbc: {  	s3 =	sand.u32 $0x4000, s31;
	s1 =	sadd.s32 s1, s30  }
0xbd: {  	s0 =	sor.u32 s3, s0;
	s1 =	sshll.u32 s1, $0x11  }
0xbe: {  	s0 =	sor.u32 s1, s0  }
0xbf: {  	s0 =	sadd.s32 $0x8F2B, s0  }
0xc0: {  	[sflag:s0] =	ssyncadd.remote.s32 $0x1  }
0xc1: {  	_ =	sfence.sel $0xFFFF  }
0xc2: {  	[dreg:$0x0] =	wrdreg $0xFFFFFFFF;
	(pc) =	sbr.abs _section_cstart, $3  }
0xc3: {  	[dreg:$0x1] =	wrdreg $0xFFFFFFFF  }
0xc4: {  	_ =	task.clear_ibuf [dreg:s8], $0x2FFFF;
	_ =	strace $0x9FFFFFFF  }
0xc5: {  	(tm) =	ssettm $0x7FFFFFFF  }
tec
execute0_lowered:
.L_overlay_start_1:
0x0: {  	(tag) =	ssettag $0x1  }
0x1: {  	s0 =	rddreg [dreg:$0x0]  }
0x2: {  	s1 =	rddreg [dreg:$0x1];
	s2 =	srdreg.scid  }
0x3: {  	s4 =	rddreg [dreg:$0x2];
	s12 =	stileid.u32;
	s3 =	simm.s32 $0x0  }
0x4: {  	s28 =	simm.s32 $0x800;
	s29 =	simm.s32 $0x4;
	s30 =	simm.s32 $0x14980  }
0x5: {  	s31 =	simm.s32 $0x7;
	s5 =	sand.u32 $0x1, s2;
	s2 =	rddreg [dreg:$0x3]  }
0x6: {  	s6 =	sshll.u32 s12, $0xD;
	[smem:$0x7FF] =	sst s3;
	s15 =	sshll.u32 s12, $0x4  }
0x7: {  	s21 =	sshll.u32 s12, $0xB;
	s22 =	sadd.s32 $0x30C4, s1;
	s23 =	sadd.s32 $0x186200, s0  }
0x8: {  	s7 =	sshll.u32 s5, $0x11;
	_ =	strace $0x80000047;
	[dreg:$0xd] =	wrdreg s22  }
0x9: {  	s8 =	sshll.u32 s5, $0x4;
	s25 =	ssub.s32 $0x2, s5;
	[dreg:$0xe] =	wrdreg s23  }
0xa: {  	s7 =	sor.u32 s6, s7;
	s8 =	sor.u32 s12, s8;
	s11 =	sshrl.u32 s25, $0x1  }
0xb: {  	s7 =	sshrl.u32 s7, $0x3;
	s9 =	sshll.u32 s8, $0xF;
	s10 =	sshll.u32 s8, $0x7  }
0xc: {  	s11 =	ssub.s32 s25, s11;
	s25 =	sshll.u32 s12, $0x8;
	p0 =	sgt.u32 s8, $0x4  }
0xd: {  	p1 =	sne.s32 s8, $0x1F;
	s8 =	simm.s32 $0x3;
	s9 =	sadd.s32 s0, s9  }
0xe: {  	s4 =	sadd.s32 s7, s4;
	s10 =	sadd.s32 $0x17400, s10;
	s26 =	sadd.s32 $0x74000, s9  }
0xf: {  	s13 =	sshll.u32 s10, $0x4;
	s14 =	sshrl.u32 s10, $0x3;
	s10 =	sadd.s32 s15, s1  }
0x10: {  	s20 =	sadd.s32 $0x75000, s9;
	s24 =	sadd.s32 $0x400, s4;
	s22 =	sadd.s32 $0x7A000, s9  }
0x11: {  	s23 =	sadd.s32 $0x7B000, s9;
	s15 =	simm.s32 $0x8980;
	[dreg:$0x5] =	wrdreg s26  }
0x12: {  	s4 =	simm.s32 $0xC980;
	s7 =	sadd.s32 s0, s13;
	[dreg:$0xc] =	wrdreg s20  }
0x13: {  	s16 =	sadd.s32 $0x3080, s10;
	s0 =	sadd.s32 s21, s0;
	[dreg:$0x10] =	wrdreg s24  }
0x14: {  	s26 =	sshll.u32 s5, $0xC;
	s20 =	sadd.s32 $0x78000, s9;
	s21 =	sadd.s32 $0x79000, s9  }
0x15: {  	s13 =	simm.s32 $0x80;
	s5 =	simm.s32 $0x5;
	[dreg:$0x6] =	wrdreg s7  }
0x16: {  	s7 =	sadd.s32 s1, s14;
	[dreg:$0x8] =	wrdreg s16;
	s0 =	sadd.s32 $0x184000, s0  }
0x17: {  	s14 =	simm.s32 $0x4980;
	s16 =	simm.s32 $0x0;
	[dreg:$0x7] =	wrdreg s7  }
0x18: {  	s7 =	sadd.s32 s6, s2;
	[dreg:$0xf] =	wrdreg s0;
	s0 =	sor.u32 s25, s26  }
0x19: {  	s25 =	simm.s32 $0x980;
	s26 =	simm.s32 $0x10980;
	s17 =	sadd.s32 $0x800, s7  }
.Ltmp0:
0x1a: {  	s18 =	sadd.s32 $0x1000, s7;
	[dreg:$0x9] =	wrdreg s17;
	(pc) =	sbr.rel .LBB2_1-.Ltmp0, $4  }
0x1b: {  	s6 =	simm.s32 $0x6;
	s19 =	sadd.s32 $0x1800, s7;
	[dreg:$0xa] =	wrdreg s18  }
0x1c: {  	s0 =	sadd.s32 s1, s0;
	s1 =	simm.s32 $0x1;
	[dreg:$0xb] =	wrdreg s19  }
0x1d: {  	s17 =	smax.u32 s11, $0x1;
	s18 =	sadd.s32 $0x76000, s9;
	s19 =	sadd.s32 $0x77000, s9  }
0x1e: {  	v0 =	vimm.f32 $0.0e+00;
	v1 =	vimm.s32 $0x400;
	s24 =	sadd.s32 $0xE80, s0;
	s0 =	simm.s32 $0x2;
	s9 =	simm.s32 $0x0  }
.LBB2_6:
0x1f: {  	s10 =	rddreg [dreg:$0xf]  }
0x20: {  	[tilespmem:s26], [sflag:$0x7] =	stream.linear.gather [hbm4b:s10+s3], $0x4000, $0x38;
	[tilespmem:$0x171C0] =	vst v63  }
0x21: {  	_ =	swait.ge [sflag:s31], $0x4000  }
0x22: {  	[sflag:s31] =	ssyncset.done $0x0  }
0x23: {  	s12 =	simm.s32 $0x880;
	[sflag:s31] =	ssyncadd.s32 $0xFFFFC000  }
0x24: {  	[spmem:s2] =	stream.indirect.scatter.add.f32 [tilespmem:s26], [sflag:$0x7], $0x80, s12, s13, $0xb8;
	[tilespmem:$0x171C0] =	vst v63  }
.LBB2_9:
0x25: {  	_ =	swait.ge [sflag:s31], $0x4000  }
0x26: {  	[sflag:s31] =	ssyncset.done $0x0  }
0x27: {  	[sflag:s31] =	ssyncadd.s32 $0xFFFFC000  }
.LBB2_10:
0x28: {  	s10 =	stileid.u32;
	[bflag:$0x0] =	sbarrier.arrive $0xFFFF;
	s9 =	sadd.s32 $0x1, s9  }
0x29: {  	s11 =	sshrl.u32 s7, $0x3;
	s10 =	sshll.u32 s10, $0x6;
	p2 =	sne.s32 s9, s17  }
.Ltmp1:
0x2a: {  	s12 =	rddreg [dreg:$0x10];
	s10 =	sor.u32 $0x1C07, s10;
	(pc) =	sbr.rel @!p2 .LBB2_11-.Ltmp1, $4  }
0x2b: {  	[hbm:s12], [sflag:s10] =	dma.local [spmem:s11], $0x400  }
0x2c: {  	_ =	swait.ge [sflag:s31], $0x400  }
0x2d: {  	[sflag:s31] =	ssyncset.done $0x0  }
0x2e: {  	[sflag:s31] =	ssyncadd.s32 $0xFFFFFC00  }
.LBB2_1:
0x2f: {  	s10 =	rddreg [dreg:$0x5]  }
0x30: {  	[tilespmem:s25], [sflag:$0x1] =	stream.linear.gather [hbm4b:s10+s3], $0x8000, $0x38;
	[tilespmem:$0x171C0] =	vst v63  }
0x31: {  	s12 =	rddreg [dreg:$0x6]  }
0x32: {  	[tilespmem:s26], [sflag:$0x3] =	stream.linear.gather [hbm4b:s12+s3], $0x4000, $0x38;
	[tilespmem:$0x171C0] =	vst v63  }
0x33: {  	s11 =	rddreg [dreg:$0x7]  }
0x34: {  	[tilespmem:s28], [sflag:$0x4] =	stream.linear.gather [hbm4b:s11+s3], $0x80, $0x38;
	[tilespmem:$0x171C0] =	vst v63  }
0x35: {  	s10 =	simm.s32 @!p0 $0x0;
	s12 =	rddreg [dreg:$0x8];
	s11 =	simm.s32 @!p0 $0x880  }
0x36: {  	[tilespmem:s11], [sflag:$0x4] =	stream.linear.gather @!p0 [hbm4b:s12+s10], $0x80, $0x38;
	[tilespmem:$0x171C0] =	vst v63  }
0x37: {  	s12 =	sadd.s32 $0x0, s24;
	s10 =	simm.s32 $0x10;
	s11 =	simm.s32 $0x0  }
0x38: {  	[tilespmem:s3], [sflag:$0x4] =	stream.linear.gather [hbm4b:s12+s3], $0x80, $0x38;
	[tilespmem:$0x171C0] =	vst v63  }
.LBB2_2:
0x39: {  	p2 =	sne.s32 s10, $0xF0  }
.Ltmp2:
0x3a: {  	_ = 	snop;
	(pc) =	sbr.rel @p2 .LBB2_2-.Ltmp2, $4  }
0x3b: {  	_ = 	snop  }
0x3c: {  	s12 =	sadd.s32 s10, s24;
	s11 =	sadd.s32 $0x80, s11  }
0x3d: {  	s10 =	sadd.s32 $0x10, s10  }
0x3e: {  	[tilespmem:s11], [sflag:$0x4] =	stream.linear.gather [hbm4b:s12+s16], $0x80, $0x38;
	[tilespmem:$0x171C0] =	vst v63  }
0x3f: {  	s10 =	simm.s32 $0x0;
	s11 =	simm.s32 $0x200  }
.LBB2_4:
0x40: {  	p2 =	sne.s32 s11, $0x1E00;
	[tilespmem:s10+$0x149F0] =	vst v0  }
0x41: {  	[tilespmem:s10+$0x14980] =	vst v0  }
0x42: {  	[tilespmem:s10+$0x14990] =	vst v0  }
.Ltmp3:
0x43: {  	[tilespmem:s10+$0x149A0] =	vst v0;
	(pc) =	sbr.rel @p2 .LBB2_4-.Ltmp3, $4  }
0x44: {  	[tilespmem:s10+$0x149B0] =	vst v0  }
0x45: {  	[tilespmem:s10+$0x149C0] =	vst v0  }
0x46: {  	[tilespmem:s10+$0x149D0] =	vst v0  }
0x47: {  	[tilespmem:s10+$0x149E0] =	vst v0;
	s10 =	sshra.s32 s11, $0x2;
	s11 =	sadd.s32 $0x200, s11  }
0x48: {  	[tilespmem:s10+$0x149F0] =	vst v0  }
0x49: {  	[tilespmem:s10+$0x14980] =	vst v0  }
0x4a: {  	[tilespmem:s10+$0x14990] =	vst v0  }
0x4b: {  	[tilespmem:s10+$0x149A0] =	vst v0  }
0x4c: {  	[tilespmem:s10+$0x149B0] =	vst v0  }
0x4d: {  	[tilespmem:s10+$0x149C0] =	vst v0  }
0x4e: {  	[tilespmem:s10+$0x149D0] =	vst v0  }
0x4f: {  	[tilespmem:s10+$0x149E0] =	vst v0  }
0x50: {  	_ =	swait.ge [sflag:s29], $0x80  }
0x51: {  	[sflag:s29] =	ssyncset.done $0x0  }
0x52: {  	[sflag:s29] =	ssyncadd.s32 $0xFFFFFF80  }
0x53: {  	_ =	swait.ge [sflag:s29], $0x80  }
0x54: {  	[sflag:s29] =	ssyncset.done $0x0  }
0x55: {  	[sflag:s29] =	ssyncadd.s32 $0xFFFFFF80  }
0x56: {  	_ =	swait.ge [sflag:s29], $0x80  }
0x57: {  	[sflag:s29] =	ssyncset.done $0x0  }
0x58: {  	[sflag:s29] =	ssyncadd.s32 $0xFFFFFF80  }
0x59: {  	_ =	swait.ge [sflag:s29], $0x80  }
0x5a: {  	[sflag:s29] =	ssyncset.done $0x0  }
0x5b: {  	[sflag:s29] =	ssyncadd.s32 $0xFFFFFF80  }
0x5c: {  	_ =	swait.ge [sflag:s29], $0x80  }
0x5d: {  	[sflag:s29] =	ssyncset.done $0x0  }
0x5e: {  	[sflag:s29] =	ssyncadd.s32 $0xFFFFFF80  }
0x5f: {  	_ =	swait.ge [sflag:s29], $0x80  }
0x60: {  	[sflag:s29] =	ssyncset.done $0x0  }
0x61: {  	[sflag:s29] =	ssyncadd.s32 $0xFFFFFF80  }
0x62: {  	_ =	swait.ge [sflag:s29], $0x80  }
0x63: {  	[sflag:s29] =	ssyncset.done $0x0  }
0x64: {  	[sflag:s29] =	ssyncadd.s32 $0xFFFFFF80  }
0x65: {  	_ =	swait.ge [sflag:s29], $0x80  }
0x66: {  	[sflag:s29] =	ssyncset.done $0x0  }
0x67: {  	[sflag:s29] =	ssyncadd.s32 $0xFFFFFF80  }
0x68: {  	_ =	swait.ge [sflag:s29], $0x80  }
0x69: {  	[sflag:s29] =	ssyncset.done $0x0  }
0x6a: {  	[sflag:s29] =	ssyncadd.s32 $0xFFFFFF80  }
0x6b: {  	_ =	swait.ge [sflag:s29], $0x80  }
0x6c: {  	[sflag:s29] =	ssyncset.done $0x0  }
0x6d: {  	[sflag:s29] =	ssyncadd.s32 $0xFFFFFF80  }
0x6e: {  	_ =	swait.ge [sflag:s29], $0x80  }
0x6f: {  	[sflag:s29] =	ssyncset.done $0x0  }
0x70: {  	[sflag:s29] =	ssyncadd.s32 $0xFFFFFF80  }
0x71: {  	_ =	swait.ge [sflag:s29], $0x80  }
0x72: {  	[sflag:s29] =	ssyncset.done $0x0  }
0x73: {  	[sflag:s29] =	ssyncadd.s32 $0xFFFFFF80  }
0x74: {  	_ =	swait.ge [sflag:s29], $0x80  }
0x75: {  	[sflag:s29] =	ssyncset.done $0x0  }
0x76: {  	[sflag:s29] =	ssyncadd.s32 $0xFFFFFF80  }
0x77: {  	_ =	swait.ge [sflag:s29], $0x80  }
0x78: {  	[sflag:s29] =	ssyncset.done $0x0  }
0x79: {  	[sflag:s29] =	ssyncadd.s32 $0xFFFFFF80  }
0x7a: {  	_ =	swait.ge [sflag:s29], $0x80  }
0x7b: {  	[sflag:s29] =	ssyncset.done $0x0  }
0x7c: {  	[sflag:s29] =	ssyncadd.s32 $0xFFFFFF80  }
0x7d: {  	_ =	swait.ge [sflag:s29], $0x80  }
0x7e: {  	[sflag:s29] =	ssyncset.done $0x0  }
0x7f: {  	[sflag:s29] =	ssyncadd.s32 $0xFFFFFF80  }
0x80: {  	_ =	swait.ge [sflag:s29], $0x80  }
0x81: {  	[sflag:s29] =	ssyncset.done $0x0  }
0x82: {  	s10 =	simm.s32 @!p0 $0x4;
	[sflag:s29] =	ssyncadd.s32 $0xFFFFFF80  }
0x83: {  	_ =	swait.ge @!p0 [sflag:s10], $0x80  }
0x84: {  	[sflag:s10] =	ssyncset.done @!p0 $0x0  }
0x85: {  	[sflag:s10] =	ssyncadd.s32 @!p0 $0xFFFFFF80  }
0x86: {  	[spmem:s7] =	stream.linear.scatter [tilespmem:s30], [sflag:$0x7], $0x800, $0x38;
	[tilespmem:$0x171C0] =	vst v63  }
0x87: {  	_ =	swait.ge [sflag:s31], $0x800  }
0x88: {  	[sflag:s31] =	ssyncset.done $0x0  }
0x89: {  	s11 =	rddreg [dreg:$0x9];
	[sflag:s31] =	ssyncadd.s32 $0xFFFFF800  }
0x8a: {  	[spmem:s11] =	stream.linear.scatter [tilespmem:s30], [sflag:$0x7], $0x800, $0x38;
	[tilespmem:$0x171C0] =	vst v63  }
0x8b: {  	_ =	swait.ge [sflag:s31], $0x800  }
0x8c: {  	[sflag:s31] =	ssyncset.done $0x0  }
0x8d: {  	s12 =	rddreg [dreg:$0xa];
	[sflag:s31] =	ssyncadd.s32 $0xFFFFF800  }
0x8e: {  	[spmem:s12] =	stream.linear.scatter [tilespmem:s30], [sflag:$0x7], $0x800, $0x38;
	[tilespmem:$0x171C0] =	vst v63  }
0x8f: {  	_ =	swait.ge [sflag:s31], $0x800  }
0x90: {  	[sflag:s31] =	ssyncset.done $0x0  }
0x91: {  	s11 =	rddreg [dreg:$0xb];
	[sflag:s31] =	ssyncadd.s32 $0xFFFFF800  }
0x92: {  	[spmem:s11] =	stream.linear.scatter [tilespmem:s30], [sflag:$0x7], $0x800, $0x38;
	[tilespmem:$0x171C0] =	vst v63  }
0x93: {  	_ =	swait.ge [sflag:s31], $0x800  }
0x94: {  	[sflag:s31] =	ssyncset.done $0x0  }
0x95: {  	[sflag:s31] =	ssyncadd.s32 $0xFFFFF800  }
0x96: {  	[bflag:$0x0] =	sbarrier.arrive $0xFFFF  }
0x97: {  	_ =	swait.ge [sflag:s1], $0x8000  }
0x98: {  	[sflag:s1] =	ssyncset.done $0x0  }
0x99: {  	[sflag:s1] =	ssyncadd.s32 $0xFFFF8000  }
0x9a: {  	[spmem:s2] =	stream.indirect.scatter.add.f32 [tilespmem:s25], [sflag:$0x5], $0x80, s3, s13, $0xb8;
	[tilespmem:$0x171C0] =	vst v63  }
0x9b: {  	_ = 	snop  }
0x9c: {  	[spmem:s2] =	stream.indirect.scatter.add.f32 [tilespmem:s14], [sflag:$0x5], $0x80, s13, s13, $0xb8;
	[tilespmem:$0x171C0] =	vst v63  }
0x9d: {  	s12 =	rddreg [dreg:$0xc]  }
0x9e: {  	[tilespmem:s15], [sflag:$0x2] =	stream.linear.gather [hbm4b:s12+s3], $0x8000, $0x38;
	[tilespmem:$0x171C0] =	vst v63  }
0x9f: {  	_ =	swait.ge [sflag:s0], $0x8000  }
0xa0: {  	[sflag:s0] =	ssyncset.done $0x0  }
0xa1: {  	s11 =	simm.s32 $0x100;
	[sflag:s0] =	ssyncadd.s32 $0xFFFF8000  }
0xa2: {  	[spmem:s2] =	stream.indirect.scatter.add.f32 [tilespmem:s15], [sflag:$0x6], $0x80, s11, s13, $0xb8;
	[tilespmem:$0x171C0] =	vst v63  }
0xa3: {  	s12 =	simm.s32 $0x180  }
0xa4: {  	[spmem:s2] =	stream.indirect.scatter.add.f32 [tilespmem:s4], [sflag:$0x6], $0x80, s12, s13, $0xb8;
	[tilespmem:$0x171C0] =	vst v63  }
0xa5: {  	_ =	swait.ge [sflag:s5], $0x4000  }
0xa6: {  	[sflag:s5] =	ssyncset.done $0x0  }
0xa7: {  	[sflag:s5] =	ssyncadd.s32 $0xFFFFC000  }
0xa8: {  	_ =	swait.ge [sflag:s5], $0x4000  }
0xa9: {  	[sflag:s5] =	ssyncset.done $0x0  }
0xaa: {  	[sflag:s5] =	ssyncadd.s32 $0xFFFFC000  }
0xab: {  	[tilespmem:s25], [sflag:$0x1] =	stream.linear.gather [hbm4b:s18+s3], $0x8000, $0x38;
	[tilespmem:$0x171C0] =	vst v63  }
0xac: {  	_ =	swait.ge [sflag:s1], $0x8000  }
0xad: {  	[sflag:s1] =	ssyncset.done $0x0  }
0xae: {  	s11 =	simm.s32 $0x200;
	[sflag:s1] =	ssyncadd.s32 $0xFFFF8000  }
0xaf: {  	[spmem:s2] =	stream.indirect.scatter.add.f32 [tilespmem:s25], [sflag:$0x5], $0x80, s11, s13, $0xb8;
	[tilespmem:$0x171C0] =	vst v63  }
0xb0: {  	s12 =	simm.s32 $0x280  }
0xb1: {  	[spmem:s2] =	stream.indirect.scatter.add.f32 [tilespmem:s14], [sflag:$0x5], $0x80, s12, s13, $0xb8;
	[tilespmem:$0x171C0] =	vst v63  }
0xb2: {  	_ =	swait.ge [sflag:s6], $0x4000  }
0xb3: {  	[sflag:s6] =	ssyncset.done $0x0  }
0xb4: {  	[sflag:s6] =	ssyncadd.s32 $0xFFFFC000  }
0xb5: {  	_ =	swait.ge [sflag:s6], $0x4000  }
0xb6: {  	[sflag:s6] =	ssyncset.done $0x0  }
0xb7: {  	[sflag:s6] =	ssyncadd.s32 $0xFFFFC000  }
0xb8: {  	[tilespmem:s15], [sflag:$0x2] =	stream.linear.gather [hbm4b:s19+s3], $0x8000, $0x38;
	[tilespmem:$0x171C0] =	vst v63  }
0xb9: {  	_ =	swait.ge [sflag:s0], $0x8000  }
0xba: {  	[sflag:s0] =	ssyncset.done $0x0  }
0xbb: {  	s11 =	simm.s32 $0x300;
	[sflag:s0] =	ssyncadd.s32 $0xFFFF8000  }
0xbc: {  	[spmem:s2] =	stream.indirect.scatter.add.f32 [tilespmem:s15], [sflag:$0x6], $0x80, s11, s13, $0xb8;
	[tilespmem:$0x171C0] =	vst v63  }
0xbd: {  	s12 =	simm.s32 $0x380  }
0xbe: {  	[spmem:s2] =	stream.indirect.scatter.add.f32 [tilespmem:s4], [sflag:$0x6], $0x80, s12, s13, $0xb8;
	[tilespmem:$0x171C0] =	vst v63  }
0xbf: {  	_ =	swait.ge [sflag:s5], $0x4000  }
0xc0: {  	[sflag:s5] =	ssyncset.done $0x0  }
0xc1: {  	[sflag:s5] =	ssyncadd.s32 $0xFFFFC000  }
0xc2: {  	_ =	swait.ge [sflag:s5], $0x4000  }
0xc3: {  	[sflag:s5] =	ssyncset.done $0x0  }
0xc4: {  	[sflag:s5] =	ssyncadd.s32 $0xFFFFC000  }
0xc5: {  	[tilespmem:s25], [sflag:$0x1] =	stream.linear.gather [hbm4b:s20+s3], $0x8000, $0x38;
	[tilespmem:$0x171C0] =	vst v63  }
0xc6: {  	_ =	swait.ge [sflag:s1], $0x8000  }
0xc7: {  	[sflag:s1] =	ssyncset.done $0x0  }
0xc8: {  	s11 =	simm.s32 $0x400;
	[sflag:s1] =	ssyncadd.s32 $0xFFFF8000  }
0xc9: {  	[spmem:s2] =	stream.indirect.scatter.add.f32 [tilespmem:s25], [sflag:$0x5], $0x80, s11, s13, $0xb8;
	[tilespmem:$0x171C0] =	vst v63  }
0xca: {  	s12 =	simm.s32 $0x480  }
0xcb: {  	[spmem:s2] =	stream.indirect.scatter.add.f32 [tilespmem:s14], [sflag:$0x5], $0x80, s12, s13, $0xb8;
	[tilespmem:$0x171C0] =	vst v63  }
0xcc: {  	_ =	swait.ge [sflag:s6], $0x4000  }
0xcd: {  	[sflag:s6] =	ssyncset.done $0x0  }
0xce: {  	[sflag:s6] =	ssyncadd.s32 $0xFFFFC000  }
0xcf: {  	_ =	swait.ge [sflag:s6], $0x4000  }
0xd0: {  	[sflag:s6] =	ssyncset.done $0x0  }
0xd1: {  	[sflag:s6] =	ssyncadd.s32 $0xFFFFC000  }
0xd2: {  	[tilespmem:s15], [sflag:$0x2] =	stream.linear.gather [hbm4b:s21+s3], $0x8000, $0x38;
	[tilespmem:$0x171C0] =	vst v63  }
0xd3: {  	_ =	swait.ge [sflag:s0], $0x8000  }
0xd4: {  	[sflag:s0] =	ssyncset.done $0x0  }
0xd5: {  	s11 =	simm.s32 $0x500;
	[sflag:s0] =	ssyncadd.s32 $0xFFFF8000  }
0xd6: {  	[spmem:s2] =	stream.indirect.scatter.add.f32 [tilespmem:s15], [sflag:$0x6], $0x80, s11, s13, $0xb8;
	[tilespmem:$0x171C0] =	vst v63  }
0xd7: {  	s12 =	simm.s32 $0x580  }
0xd8: {  	[spmem:s2] =	stream.indirect.scatter.add.f32 [tilespmem:s4], [sflag:$0x6], $0x80, s12, s13, $0xb8;
	[tilespmem:$0x171C0] =	vst v63  }
0xd9: {  	_ =	swait.ge [sflag:s5], $0x4000  }
0xda: {  	[sflag:s5] =	ssyncset.done $0x0  }
0xdb: {  	[sflag:s5] =	ssyncadd.s32 $0xFFFFC000  }
0xdc: {  	_ =	swait.ge [sflag:s5], $0x4000  }
0xdd: {  	[sflag:s5] =	ssyncset.done $0x0  }
0xde: {  	[sflag:s5] =	ssyncadd.s32 $0xFFFFC000  }
0xdf: {  	[tilespmem:s25], [sflag:$0x1] =	stream.linear.gather [hbm4b:s22+s3], $0x8000, $0x38;
	[tilespmem:$0x171C0] =	vst v63  }
0xe0: {  	_ =	swait.ge [sflag:s1], $0x8000  }
0xe1: {  	[sflag:s1] =	ssyncset.done $0x0  }
0xe2: {  	s11 =	simm.s32 $0x600;
	[sflag:s1] =	ssyncadd.s32 $0xFFFF8000  }
0xe3: {  	[spmem:s2] =	stream.indirect.scatter.add.f32 [tilespmem:s25], [sflag:$0x5], $0x80, s11, s13, $0xb8;
	[tilespmem:$0x171C0] =	vst v63  }
0xe4: {  	s12 =	simm.s32 $0x680  }
0xe5: {  	[spmem:s2] =	stream.indirect.scatter.add.f32 [tilespmem:s14], [sflag:$0x5], $0x80, s12, s13, $0xb8;
	[tilespmem:$0x171C0] =	vst v63  }
0xe6: {  	_ =	swait.ge [sflag:s6], $0x4000  }
0xe7: {  	[sflag:s6] =	ssyncset.done $0x0  }
0xe8: {  	[sflag:s6] =	ssyncadd.s32 $0xFFFFC000  }
0xe9: {  	_ =	swait.ge [sflag:s6], $0x4000  }
0xea: {  	[sflag:s6] =	ssyncset.done $0x0  }
0xeb: {  	[sflag:s6] =	ssyncadd.s32 $0xFFFFC000  }
0xec: {  	[tilespmem:s15], [sflag:$0x2] =	stream.linear.gather [hbm4b:s23+s3], $0x8000, $0x38;
	[tilespmem:$0x171C0] =	vst v63  }
0xed: {  	_ =	swait.ge [sflag:s0], $0x8000  }
0xee: {  	[sflag:s0] =	ssyncset.done $0x0  }
0xef: {  	s11 =	simm.s32 $0x700;
	[sflag:s0] =	ssyncadd.s32 $0xFFFF8000  }
0xf0: {  	[spmem:s2] =	stream.indirect.scatter.add.f32 [tilespmem:s15], [sflag:$0x6], $0x80, s11, s13, $0xb8;
	[tilespmem:$0x171C0] =	vst v63  }
0xf1: {  	s12 =	simm.s32 $0x780  }
0xf2: {  	[spmem:s2] =	stream.indirect.scatter.add.f32 [tilespmem:s4], [sflag:$0x6], $0x80, s12, s13, $0xb8;
	[tilespmem:$0x171C0] =	vst v63  }
0xf3: {  	_ =	swait.ge [sflag:s5], $0x4000  }
0xf4: {  	[sflag:s5] =	ssyncset.done $0x0  }
0xf5: {  	[sflag:s5] =	ssyncadd.s32 $0xFFFFC000  }
0xf6: {  	_ =	swait.ge [sflag:s5], $0x4000  }
0xf7: {  	[sflag:s5] =	ssyncset.done $0x0  }
0xf8: {  	[sflag:s5] =	ssyncadd.s32 $0xFFFFC000  }
0xf9: {  	_ =	swait.ge [sflag:s6], $0x4000  }
0xfa: {  	[sflag:s6] =	ssyncset.done $0x0  }
0xfb: {  	[sflag:s6] =	ssyncadd.s32 $0xFFFFC000  }
0xfc: {  	_ =	swait.ge [sflag:s6], $0x4000  }
0xfd: {  	[sflag:s6] =	ssyncset.done $0x0  }
0xfe: {  	[sflag:s6] =	ssyncadd.s32 $0xFFFFC000  }
0xff: {  	_ =	swait.ge [sflag:s8], $0x4000  }
0x100: {  	[sflag:s8] =	ssyncset.done $0x0  }
.Ltmp4:
0x101: {  	[sflag:s8] =	ssyncadd.s32 $0xFFFFC000;
	(pc) =	sbr.rel @!p0 .LBB2_6-.Ltmp4, $4  }
0x102: {  	[spmem:s2] =	stream.indirect.scatter.add.f32 [tilespmem:s26], [sflag:$0x7], $0x80, s28, s13, $0xb8;
	[tilespmem:$0x171C0] =	vst v63  }
0x103: {  	_ =	swait.ge [sflag:s31], $0x4000  }
0x104: {  	[sflag:s31] =	ssyncset.done $0x0  }
0x105: {  	[sflag:s31] =	ssyncadd.s32 $0xFFFFC000  }
.Ltmp5:
0x106: {  	(pc) =	sbr.rel @p1 .LBB2_10-.Ltmp5, $1  }
0x107: {  	_ =	sdelay $0x3  }
0x108: {  	s10 =	rddreg [dreg:$0xd];
	s11 =	simm.s32 $0x900  }
0x109: {  	[tilespmem:s11], [sflag:$0x7] =	stream.linear.gather [hbm4b:s10+s3], $0x80, $0x38;
	[tilespmem:$0x171C0] =	vst v63  }
0x10a: {  	_ =	swait.ge [sflag:s31], $0x80  }
0x10b: {  	[sflag:s31] =	ssyncset.done $0x0  }
0x10c: {  	[sflag:s31] =	ssyncadd.s32 $0xFFFFFF80  }
0x10d: {  	[tilespmem:$0x900] =	vst v1  }
0x10e: {  	[tilespmem:$0x910] =	vst v1  }
0x10f: {  	[tilespmem:$0x920] =	vst v1  }
0x110: {  	[tilespmem:$0x930] =	vst v1  }
0x111: {  	[tilespmem:$0x940] =	vst v1  }
0x112: {  	s12 =	rddreg [dreg:$0xe];
	[tilespmem:$0x950] =	vst v1  }
0x113: {  	[tilespmem:s25], [sflag:$0x7] =	stream.linear.gather [hbm4b:s12+s3], $0x4000, $0x38;
	[tilespmem:$0x171C0] =	vst v63  }
.Ltmp6:
0x114: {  	_ = 	snop;
	(pc) =	sbr.rel .LBB2_9-.Ltmp6, $4  }
0x115: {  	_ =	swait.ge [sflag:s31], $0x4000  }
0x116: {  	[sflag:s31] =	ssyncset.done $0x0  }
0x117: {  	[sflag:s31] =	ssyncadd.s32 $0xFFFFC000  }
0x118: {  	[spmem:s2] =	stream.indirect.scatter.add.f32 [tilespmem:s25], [sflag:$0x7], $0x80, s11, s13, $0xb8;
	[tilespmem:$0x171C0] =	vst v63  }
.LBB2_11:
0x119: {  	_ =	sfence.sel $0x180000  }
0x11a: {  	[bflag:$0x0] =	sbarrier.arrive $0xFFFF  }
0x11b: {  	_ =	strace $0x90000047  }
0x11c: {  	s0 =	stileid.u32;
	[bflag:$0x2] =	sbarrier.arrive $0xFFFF  }
0x11d: {  	p0 =	sne.s32 s0, $0x0;
	s0 =	rddreg [dreg:$0x4]  }
0x11e: {  	s0 =	sadd.s32 @!p0 $0x100000, s0  }
0x11f: {  	[sflag:s0] =	ssyncadd.tile.s32 @!p0 $0x1;
	_ =	shalt  }
.Lfunc_end2:
_tile_overlayer_lowered:
.L_overlay_start_2:
0x120: {  	(tag) =	ssettag $0x2  }
0x121: {  	s0 =	rddreg [dreg:$0x0];
	s2 =	stileid.u32  }
0x122: {  	s1 =	rddreg [dreg:$0x1];
	p0 =	sne.s32 s2, $0x0  }
0x123: {  	s3 =	rddreg [dreg:$0x2];
	[bflag:$0x3] =	sbarrier.arrive $0xFFFF;
	s2 =	simm.s32 @!p0 $0x1C07  }
0x124: {  	[timem:s3], [sflag:s2] =	dma.local @!p0 [hbm:s0], s1  }
0x125: {  	s0 =	simm.s32 @!p0 $0x7  }
0x126: {  	_ =	swait.ge @!p0 [sflag:s0], s1  }
0x127: {  	s1 =	ssub.s32 @!p0 $0x0, s1;
	[sflag:s0] =	ssyncset.done @!p0 $0x0  }
0x128: {  	[sflag:s0] =	ssyncadd.s32 @!p0 s1  }
0x129: {  	[bflag:$0x3] =	sbarrier.arrive $0xFFFF  }
0x12a: {  	_ =	shalt  }

</sc_bundles>
